<compile_context>
chip_gen: v7x
topology: tpu7x:2x2x1
jax: 0.10.2.dev20260603
libtpu: 0.0.44.dev20260713+nightly
codegen_flags: <defaults>
</compile_context>

<pallas_src>
import functools

import jax
import jax.numpy as jnp
from jax import lax
from jax.experimental import pallas as pl
from jax.experimental.pallas import tpu as pltpu
from jax.experimental.pallas import tpu_sc as plsc


def kernel(x, embedding):
    B, H = x.shape
    V, D = embedding.shape
    N = B * H

    info = plsc.get_sparse_core_info()
    NC, NS, L = info.num_cores, info.num_subcores, info.num_lanes
    NW = NC * NS

    K = 128
    NG = 8
    TL = 4
    NSB = 4
    DT, DI = D // 8, 8
    assert B == NW * K and D == DT * DI
    RBYTES = K * D * 4

    xT = jnp.swapaxes(x, 0, 1).astype(jnp.int32)

    mesh = plsc.VectorSubcoreMesh(core_axis_name="c", subcore_axis_name="s")

    @functools.partial(
        pl.kernel,
        out_type=jax.ShapeDtypeStruct((H, DT, NW, DI, K), jnp.float32),
        mesh=mesh,
        scratch_types=[
            pltpu.VMEM((H, K), jnp.int32),
            pltpu.VMEM((NG, K, D), jnp.float32),
            pltpu.VMEM((NSB, DT, DI, K + 1), jnp.float32),
            pltpu.SemaphoreType.DMA((NG,)),
            pltpu.SemaphoreType.DMA((NSB,)),
        ],
        compiler_params=pltpu.CompilerParams(
            use_tc_tiling_on_sc=False, needs_layout_passes=False
        ),
    )
    def emb_kernel(idx_hbm, table_hbm, out_hbm, idx_v, rows_v, tout_v, gsem, ssem):
        wid = lax.axis_index("s") * NC + lax.axis_index("c")
        pltpu.sync_copy(idx_hbm.at[:, pl.ds(wid * K, K)], idx_v)

        lane = lax.iota(jnp.int32, L)
        dtv = [lax.shift_right_logical(lane + d0 * L, 3) for d0 in range(D // L)]
        div = [jnp.bitwise_and(lane + d0 * L, DI - 1) for d0 in range(D // L)]

        def transpose_store(ht):
            bg = jnp.bitwise_and(ht, NG - 1)
            bs = jnp.bitwise_and(ht, NSB - 1)

            @pl.when(ht >= NSB)
            def _():
                pltpu.make_async_copy(
                    tout_v.at[bs, :, :, pl.ds(0, K)],
                    out_hbm.at[0, :, wid],
                    ssem.at[bs],
                ).wait()

            pltpu.make_async_copy(
                table_hbm.at[idx_v.at[ht]], rows_v.at[bg], gsem.at[bg]
            ).wait()

            src = rows_v.at[bg]
            dst = tout_v.at[bs]

            @plsc.parallel_loop(0, K, unroll=4)
            def _(b):
                col = jax.lax.broadcast(b, (L,))
                for d0 in range(D // L):
                    vals = src[b, pl.ds(d0 * L, L)]
                    plsc.store_scatter(dst, [dtv[d0], div[d0], col], vals)

            pltpu.async_copy(
                tout_v.at[bs, :, :, pl.ds(0, K)],
                out_hbm.at[ht, :, wid],
                ssem.at[bs],
            )

        def body(h, carry):
            @pl.when(h < H)
            def _():
                bg = jnp.bitwise_and(h, NG - 1)
                pltpu.async_copy(
                    table_hbm.at[idx_v.at[h]], rows_v.at[bg], gsem.at[bg]
                )

            @pl.when(h >= TL)
            def _():
                transpose_store(h - TL)

            return carry

        lax.fori_loop(0, H + TL, body, 0)
        for b in range(NSB):
            pltpu.make_async_copy(
                tout_v.at[b, :, :, pl.ds(0, K)], out_hbm.at[0, :, wid], ssem.at[b]
            ).wait()

    out5 = emb_kernel(xT, embedding)
    return out5.transpose(2, 4, 0, 1, 3).reshape(B, H, D)

# --- scband reference (transcript-rebuilt; emitter-appended) ---
"""Pipeline reference for scband-token-embedding-20761871909322 (READ-ONLY COPY).

The authoritative reference and input builder live on the scoring server;
editing this copy changes nothing except your own understanding.
"""

import jax, jax.numpy as jnp
import numpy as np

VOCAB = 1000000
HIDDEN = 64
BATCH = 4096
HIST = 200

def setup_inputs(seed: int = 0) -> dict:
    key = jax.random.key(seed)
    k_idx, k_emb = jax.random.split(key)
    x = jax.random.randint(k_idx, (BATCH, HIST), 0, VOCAB, dtype=jnp.int64 if jax.config.jax_enable_x64 else jnp.int32)
    embedding = jax.random.normal(k_emb, (VOCAB, HIDDEN), dtype=jnp.float32)
    return {"x": x, "embedding": embedding}

def reference(x, embedding):
    # nn.Embedding forward: gather rows of the table by index
    return jnp.take(embedding, x, axis=0)

if __name__ == "__main__":
    import jax
    _d = setup_inputs()
    print(jax.jit(kernel)(*tuple(_d.values())))

</pallas_src>

<mosaic_0001>
#map = affine_map<(d0, d1) -> (0, 0)>
#map1 = affine_map<(d0, d1) -> (0, 0, 0, 0, 0)>
module attributes {stable_mosaic.version = 14 : i64} {
  func.func @emb_kernel(%arg0: i32, %arg1: i32, %arg2: memref<200x4096xi32, #tpu.memory_space<hbm>>, %arg3: memref<1000000x64xf32, #tpu.memory_space<hbm>>, %arg4: memref<200x8x32x8x128xf32, #tpu.memory_space<hbm>>, %arg5: memref<200x128xi32, #tpu.memory_space<vmem>>, %arg6: memref<8x128x64xf32, #tpu.memory_space<vmem>>, %arg7: memref<4x8x8x129xf32, #tpu.memory_space<vmem>>, %arg8: memref<8x!tpu.dma_semaphore, #tpu.memory_space<semaphore_mem>>, %arg9: memref<4x!tpu.dma_semaphore, #tpu.memory_space<semaphore_mem>>) attributes {dimension_semantics = [#tpu.dimension_semantics<core_parallel>, #tpu.dimension_semantics<subcore_parallel>], iteration_bounds = array<i64: 2, 16>, scalar_prefetch = 0 : i64, scratch_operands = 5 : i64, tpu.core_type = #tpu.core_type<sc_vector_subcore>, window_params = [{transform_indices = #map}, {transform_indices = #map}, {transform_indices = #map1}]} {
    %mul3A = arith.constant 2 : i32
    %mul3A_0 = arith.muli %arg1, %mul3A : i32
    %add3A = arith.addi %mul3A_0, %arg0 : i32
    %mul3A_1 = arith.constant 128 : i32
    %mul3A_2 = arith.muli %add3A, %mul3A_1 : i32
    "tpu.region"() ({
      %run_scoped3A = tpu.sem_alloc : memref<!tpu.dma_semaphore, #tpu.memory_space<semaphore_mem>>
      %dma_start3A = arith.constant 0 : i32
      %dma_start3A_153 = tpu.memref_slice %arg2[%dma_start3A, %mul3A_2] : memref<200x4096xi32, #tpu.memory_space<hbm>> -> memref<200x128xi32, #tpu.memory_space<hbm>>
      %dma_start3A_154 = arith.constant 0 : i32
      %dma_start3A_155 = tpu.memref_slice %arg2[%dma_start3A_154, %mul3A_2] : memref<200x4096xi32, #tpu.memory_space<hbm>> -> memref<200x128xi32, #tpu.memory_space<hbm>>
      tpu.enqueue_dma source(%dma_start3A_155 : memref<200x128xi32, #tpu.memory_space<hbm>>) target(%arg5 : memref<200x128xi32, #tpu.memory_space<vmem>>) target_semaphore(%run_scoped3A : memref<!tpu.dma_semaphore, #tpu.memory_space<semaphore_mem>>)
      %dma_wait3A_156 = arith.constant 0 : i32
      %dma_wait3A_157 = tpu.memref_slice %arg2[%dma_wait3A_156, %mul3A_2] : memref<200x4096xi32, #tpu.memory_space<hbm>> -> memref<200x128xi32, #tpu.memory_space<hbm>>
      %dma_wait3A_158 = arith.constant 0 : i32
      %dma_wait3A_159 = tpu.memref_slice %arg2[%dma_wait3A_158, %mul3A_2] : memref<200x4096xi32, #tpu.memory_space<hbm>> -> memref<200x128xi32, #tpu.memory_space<hbm>>
      tpu.wait_dma2 semaphore(%run_scoped3A : memref<!tpu.dma_semaphore, #tpu.memory_space<semaphore_mem>>) src(%dma_wait3A_159 : memref<200x128xi32, #tpu.memory_space<hbm>>) dst(%arg5 : memref<200x128xi32, #tpu.memory_space<vmem>>)
      tpu.yield
    }) : () -> ()
    %iota3A = tpu.iota {dimensions = array<i32: 0>} : vector<16xi32>
    %add3A_3 = arith.constant 0 : i32
    %add3A_4 = vector.broadcast %add3A_3 : i32 to vector<16xi32>
    %add3A_5 = arith.addi %iota3A, %add3A_4 : vector<16xi32>
    %shift_right_logical3A = arith.constant 3 : i32
    %shift_right_logical3A_6 = vector.broadcast %shift_right_logical3A : i32 to vector<16xi32>
    %shift_right_logical3A_7 = arith.shrui %add3A_5, %shift_right_logical3A_6 : vector<16xi32>
    %add3A_8 = arith.constant 16 : i32
    %add3A_9 = vector.broadcast %add3A_8 : i32 to vector<16xi32>
    %add3A_10 = arith.addi %iota3A, %add3A_9 : vector<16xi32>
    %shift_right_logical3A_11 = arith.constant 3 : i32
    %shift_right_logical3A_12 = vector.broadcast %shift_right_logical3A_11 : i32 to vector<16xi32>
    %shift_right_logical3A_13 = arith.shrui %add3A_10, %shift_right_logical3A_12 : vector<16xi32>
    %add3A_14 = arith.constant 32 : i32
    %add3A_15 = vector.broadcast %add3A_14 : i32 to vector<16xi32>
    %add3A_16 = arith.addi %iota3A, %add3A_15 : vector<16xi32>
    %shift_right_logical3A_17 = arith.constant 3 : i32
    %shift_right_logical3A_18 = vector.broadcast %shift_right_logical3A_17 : i32 to vector<16xi32>
    %shift_right_logical3A_19 = arith.shrui %add3A_16, %shift_right_logical3A_18 : vector<16xi32>
    %add3A_20 = arith.constant 48 : i32
    %add3A_21 = vector.broadcast %add3A_20 : i32 to vector<16xi32>
    %add3A_22 = arith.addi %iota3A, %add3A_21 : vector<16xi32>
    %shift_right_logical3A_23 = arith.constant 3 : i32
    %shift_right_logical3A_24 = vector.broadcast %shift_right_logical3A_23 : i32 to vector<16xi32>
    %shift_right_logical3A_25 = arith.shrui %add3A_22, %shift_right_logical3A_24 : vector<16xi32>
    %add3A_26 = arith.constant 0 : i32
    %add3A_27 = vector.broadcast %add3A_26 : i32 to vector<16xi32>
    %add3A_28 = arith.addi %iota3A, %add3A_27 : vector<16xi32>
    %and3A = arith.constant 7 : i32
    %and3A_29 = vector.broadcast %and3A : i32 to vector<16xi32>
    %and3A_30 = arith.andi %add3A_28, %and3A_29 : vector<16xi32>
    %add3A_31 = arith.constant 16 : i32
    %add3A_32 = vector.broadcast %add3A_31 : i32 to vector<16xi32>
    %add3A_33 = arith.addi %iota3A, %add3A_32 : vector<16xi32>
    %and3A_34 = arith.constant 7 : i32
    %and3A_35 = vector.broadcast %and3A_34 : i32 to vector<16xi32>
    %and3A_36 = arith.andi %add3A_33, %and3A_35 : vector<16xi32>
    %add3A_37 = arith.constant 32 : i32
    %add3A_38 = vector.broadcast %add3A_37 : i32 to vector<16xi32>
    %add3A_39 = arith.addi %iota3A, %add3A_38 : vector<16xi32>
    %and3A_40 = arith.constant 7 : i32
    %and3A_41 = vector.broadcast %and3A_40 : i32 to vector<16xi32>
    %and3A_42 = arith.andi %add3A_39, %and3A_41 : vector<16xi32>
    %add3A_43 = arith.constant 48 : i32
    %add3A_44 = vector.broadcast %add3A_43 : i32 to vector<16xi32>
    %add3A_45 = arith.addi %iota3A, %add3A_44 : vector<16xi32>
    %and3A_46 = arith.constant 7 : i32
    %and3A_47 = vector.broadcast %and3A_46 : i32 to vector<16xi32>
    %and3A_48 = arith.andi %add3A_45, %and3A_47 : vector<16xi32>
    %scan3A = arith.constant 0 : i32
    %scan3A_49 = arith.constant 0 : i32
    %scan3A_50 = arith.constant 204 : i32
    %scan3A_51 = arith.addi %scan3A_49, %scan3A_50 : i32
    %scan3A_52 = arith.constant 1 : i32
    scf.for %scan3A_153 = %scan3A_49 to %scan3A_51 step %scan3A_52  : i32 {
      %lt3A = arith.constant 200 : i32
      %lt3A_154 = arith.cmpi slt, %scan3A_153, %lt3A : i32
      %convert_element_type3A = arith.extui %lt3A_154 : i1 to i32
      %cond3A = arith.constant 0 : i32
      %cond3A_155 = arith.cmpi ne, %convert_element_type3A, %cond3A : i32
      scf.if %cond3A_155 {
        %and3A_160 = arith.constant 7 : i32
        %and3A_161 = arith.andi %scan3A_153, %and3A_160 : i32
        %dma_start3A = arith.constant 0 : i32
        %dma_start3A_162 = arith.constant 0 : i32
        %dma_start3A_163 = tpu.memref_slice %arg6[%and3A_161, %dma_start3A, %dma_start3A_162] : memref<8x128x64xf32, #tpu.memory_space<vmem>> -> memref<1x128x64xf32, #tpu.memory_space<vmem>>
        %dma_start3A_164 = tpu.memref_squeeze %dma_start3A_163 : memref<1x128x64xf32, #tpu.memory_space<vmem>> -> memref<128x64xf32, #tpu.memory_space<vmem>>
        %dma_start3A_165 = arith.constant 0 : i32
        %dma_start3A_166 = tpu.memref_slice %arg5[%scan3A_153, %dma_start3A_165] : memref<200x128xi32, #tpu.memory_space<vmem>> -> memref<1x128xi32, #tpu.memory_space<vmem>>
        %dma_start3A_167 = tpu.memref_squeeze %dma_start3A_166 : memref<1x128xi32, #tpu.memory_space<vmem>> -> memref<128xi32, #tpu.memory_space<vmem>>
        %dma_start3A_168 = arith.constant 0 : i32
        %dma_start3A_169 = arith.constant 0 : i32
        %dma_start3A_170 = tpu.memref_slice %arg3[%dma_start3A_168, %dma_start3A_169] : memref<1000000x64xf32, #tpu.memory_space<hbm>> -> memref<1000000x64xf32, #tpu.memory_space<hbm>>
        %dma_start3A_171 = tpu.memref_slice %arg8[%and3A_161] : memref<8x!tpu.dma_semaphore, #tpu.memory_space<semaphore_mem>> -> memref<1x!tpu.dma_semaphore, #tpu.memory_space<semaphore_mem>>
        %dma_start3A_172 = tpu.memref_squeeze %dma_start3A_171 : memref<1x!tpu.dma_semaphore, #tpu.memory_space<semaphore_mem>> -> memref<!tpu.dma_semaphore, #tpu.memory_space<semaphore_mem>>
        tpu.enqueue_indirect_dma source(%dma_start3A_170 : memref<1000000x64xf32, #tpu.memory_space<hbm>>) target(%dma_start3A_164 : memref<128x64xf32, #tpu.memory_space<vmem>>) offsets(%dma_start3A_167 : memref<128xi32, #tpu.memory_space<vmem>>) semaphore(%dma_start3A_172 : memref<!tpu.dma_semaphore, #tpu.memory_space<semaphore_mem>>)
      } else {
      }
      %ge3A = arith.constant 4 : i32
      %ge3A_156 = arith.cmpi sge, %scan3A_153, %ge3A : i32
      %convert_element_type3A_157 = arith.extui %ge3A_156 : i1 to i32
      %cond3A_158 = arith.constant 0 : i32
      %cond3A_159 = arith.cmpi ne, %convert_element_type3A_157, %cond3A_158 : i32
      scf.if %cond3A_159 {
        %sub3A = arith.constant 4 : i32
        %sub3A_160 = arith.subi %scan3A_153, %sub3A : i32
        %and3A_161 = arith.constant 7 : i32
        %and3A_162 = arith.andi %sub3A_160, %and3A_161 : i32
        %and3A_163 = arith.constant 3 : i32
        %and3A_164 = arith.andi %sub3A_160, %and3A_163 : i32
        %ge3A_165 = arith.constant 4 : i32
        %ge3A_166 = arith.cmpi sge, %sub3A_160, %ge3A_165 : i32
        %convert_element_type3A_167 = arith.extui %ge3A_166 : i1 to i32
        %cond3A_168 = arith.constant 0 : i32
        %cond3A_169 = arith.cmpi ne, %convert_element_type3A_167, %cond3A_168 : i32
        scf.if %cond3A_169 {
          %dma_wait3A_205 = arith.constant 0 : i32
          %dma_wait3A_206 = arith.constant 0 : i32
          %dma_wait3A_207 = arith.constant 0 : i32
          %dma_wait3A_208 = arith.constant 0 : i32
          %dma_wait3A_209 = tpu.memref_slice %arg7[%and3A_164, %dma_wait3A_206, %dma_wait3A_207, %dma_wait3A_208] : memref<4x8x8x129xf32, #tpu.memory_space<vmem>> -> memref<1x8x8x128xf32, #tpu.memory_space<vmem>>
          %dma_wait3A_210 = tpu.memref_squeeze %dma_wait3A_209 : memref<1x8x8x128xf32, #tpu.memory_space<vmem>> -> memref<8x8x128xf32, #tpu.memory_space<vmem>>
          %dma_wait3A_211 = arith.constant 0 : i32
          %dma_wait3A_212 = arith.constant 0 : i32
          %dma_wait3A_213 = arith.constant 0 : i32
          %dma_wait3A_214 = tpu.memref_slice %arg4[%dma_wait3A_205, %dma_wait3A_211, %add3A, %dma_wait3A_212, %dma_wait3A_213] : memref<200x8x32x8x128xf32, #tpu.memory_space<hbm>> -> memref<1x8x1x8x128xf32, #tpu.memory_space<hbm>>
          %dma_wait3A_215 = tpu.memref_squeeze %dma_wait3A_214 : memref<1x8x1x8x128xf32, #tpu.memory_space<hbm>> -> memref<8x8x128xf32, #tpu.memory_space<hbm>>
          %dma_wait3A_216 = tpu.memref_slice %arg9[%and3A_164] : memref<4x!tpu.dma_semaphore, #tpu.memory_space<semaphore_mem>> -> memref<1x!tpu.dma_semaphore, #tpu.memory_space<semaphore_mem>>
          %dma_wait3A_217 = tpu.memref_squeeze %dma_wait3A_216 : memref<1x!tpu.dma_semaphore, #tpu.memory_space<semaphore_mem>> -> memref<!tpu.dma_semaphore, #tpu.memory_space<semaphore_mem>>
          %dma_wait3A_218 = arith.constant 0 : i32
          %dma_wait3A_219 = arith.constant 0 : i32
          %dma_wait3A_220 = arith.constant 0 : i32
          %dma_wait3A_221 = tpu.memref_slice %arg4[%dma_wait3A_205, %dma_wait3A_218, %add3A, %dma_wait3A_219, %dma_wait3A_220] : memref<200x8x32x8x128xf32, #tpu.memory_space<hbm>> -> memref<1x8x1x8x128xf32, #tpu.memory_space<hbm>>
          %dma_wait3A_222 = tpu.memref_squeeze %dma_wait3A_221 : memref<1x8x1x8x128xf32, #tpu.memory_space<hbm>> -> memref<8x8x128xf32, #tpu.memory_space<hbm>>
          %dma_wait3A_223 = arith.constant 0 : i32
          %dma_wait3A_224 = arith.constant 0 : i32
          %dma_wait3A_225 = arith.constant 0 : i32
          %dma_wait3A_226 = tpu.memref_slice %arg7[%and3A_164, %dma_wait3A_223, %dma_wait3A_224, %dma_wait3A_225] : memref<4x8x8x129xf32, #tpu.memory_space<vmem>> -> memref<1x8x8x128xf32, #tpu.memory_space<vmem>>
          %dma_wait3A_227 = tpu.memref_squeeze %dma_wait3A_226 : memref<1x8x8x128xf32, #tpu.memory_space<vmem>> -> memref<8x8x128xf32, #tpu.memory_space<vmem>>
          tpu.wait_dma2 semaphore(%dma_wait3A_217 : memref<!tpu.dma_semaphore, #tpu.memory_space<semaphore_mem>>) src(%dma_wait3A_227 : memref<8x8x128xf32, #tpu.memory_space<vmem>>) dst(%dma_wait3A_222 : memref<8x8x128xf32, #tpu.memory_space<hbm>>)
        } else {
        }
        %dma_wait3A_170 = arith.constant 0 : i32
        %dma_wait3A_171 = arith.constant 0 : i32
        %dma_wait3A_172 = tpu.memref_slice %arg6[%and3A_162, %dma_wait3A_170, %dma_wait3A_171] : memref<8x128x64xf32, #tpu.memory_space<vmem>> -> memref<1x128x64xf32, #tpu.memory_space<vmem>>
        %dma_wait3A_173 = tpu.memref_squeeze %dma_wait3A_172 : memref<1x128x64xf32, #tpu.memory_space<vmem>> -> memref<128x64xf32, #tpu.memory_space<vmem>>
        %dma_wait3A_174 = arith.constant 0 : i32
        %dma_wait3A_175 = tpu.memref_slice %arg5[%sub3A_160, %dma_wait3A_174] : memref<200x128xi32, #tpu.memory_space<vmem>> -> memref<1x128xi32, #tpu.memory_space<vmem>>
        %dma_wait3A_176 = tpu.memref_squeeze %dma_wait3A_175 : memref<1x128xi32, #tpu.memory_space<vmem>> -> memref<128xi32, #tpu.memory_space<vmem>>
        %dma_wait3A_177 = arith.constant 0 : i32
        %dma_wait3A_178 = arith.constant 0 : i32
        %dma_wait3A_179 = tpu.memref_slice %arg3[%dma_wait3A_177, %dma_wait3A_178] : memref<1000000x64xf32, #tpu.memory_space<hbm>> -> memref<1000000x64xf32, #tpu.memory_space<hbm>>
        %dma_wait3A_180 = tpu.memref_slice %arg8[%and3A_162] : memref<8x!tpu.dma_semaphore, #tpu.memory_space<semaphore_mem>> -> memref<1x!tpu.dma_semaphore, #tpu.memory_space<semaphore_mem>>
        %dma_wait3A_181 = tpu.memref_squeeze %dma_wait3A_180 : memref<1x!tpu.dma_semaphore, #tpu.memory_space<semaphore_mem>> -> memref<!tpu.dma_semaphore, #tpu.memory_space<semaphore_mem>>
        tpu.wait_indirect_dma semaphore(%dma_wait3A_181 : memref<!tpu.dma_semaphore, #tpu.memory_space<semaphore_mem>>) src(%dma_wait3A_179 : memref<1000000x64xf32, #tpu.memory_space<hbm>>) dst(%dma_wait3A_173 : memref<128x64xf32, #tpu.memory_space<vmem>>)
        %parallel_loop3A = arith.constant 0 : i32
        %parallel_loop3A_182 = arith.constant 128 : i32
        %parallel_loop3A_183 = arith.constant 1 : i32
        scf.for %parallel_loop3A_205 = %parallel_loop3A to %parallel_loop3A_182 step %parallel_loop3A_183  : i32 {
          %parallel_loop3A_206 = vector.broadcast %parallel_loop3A_205 : i32 to vector<16xi32>
          %parallel_loop3A_207 = arith.constant 0 : i32
          %parallel_loop3A_208 = arith.constant 0 : i32
          %parallel_loop3A_209 = tpu.memref_slice %arg6[%and3A_162, %parallel_loop3A_207, %parallel_loop3A_208] : memref<8x128x64xf32, #tpu.memory_space<vmem>> -> memref<1x128x64xf32, #tpu.memory_space<vmem>>
          %parallel_loop3A_210 = tpu.memref_squeeze %parallel_loop3A_209 : memref<1x128x64xf32, #tpu.memory_space<vmem>> -> memref<128x64xf32, #tpu.memory_space<vmem>>
          %parallel_loop3A_211 = arith.index_cast %parallel_loop3A_205 : i32 to index
          %parallel_loop3A_212 = arith.constant 0 : index
          %parallel_loop3A_213 = tpu.vector_load %parallel_loop3A_210[%parallel_loop3A_211, %parallel_loop3A_212] {strides = array<i32>} : memref<128x64xf32, #tpu.memory_space<vmem>>, vector<16xf32>,
          %parallel_loop3A_214 = arith.constant 0 : i32
          %parallel_loop3A_215 = arith.constant 0 : i32
          %parallel_loop3A_216 = arith.constant 0 : i32
          %parallel_loop3A_217 = tpu.memref_slice %arg7[%and3A_164, %parallel_loop3A_214, %parallel_loop3A_215, %parallel_loop3A_216] : memref<4x8x8x129xf32, #tpu.memory_space<vmem>> -> memref<1x8x8x129xf32, #tpu.memory_space<vmem>>
          %parallel_loop3A_218 = tpu.memref_squeeze %parallel_loop3A_217 : memref<1x8x8x129xf32, #tpu.memory_space<vmem>> -> memref<8x8x129xf32, #tpu.memory_space<vmem>>
          tpu.vector_store_idx %parallel_loop3A_218[%shift_right_logical3A_7, %and3A_30, %parallel_loop3A_206], %parallel_loop3A_213 : memref<8x8x129xf32, #tpu.memory_space<vmem>>[vector<16xi32>, vector<16xi32>, vector<16xi32>], vector<16xf32>,
          %parallel_loop3A_219 = arith.constant 0 : i32
          %parallel_loop3A_220 = arith.constant 0 : i32
          %parallel_loop3A_221 = tpu.memref_slice %arg6[%and3A_162, %parallel_loop3A_219, %parallel_loop3A_220] : memref<8x128x64xf32, #tpu.memory_space<vmem>> -> memref<1x128x64xf32, #tpu.memory_space<vmem>>
          %parallel_loop3A_222 = tpu.memref_squeeze %parallel_loop3A_221 : memref<1x128x64xf32, #tpu.memory_space<vmem>> -> memref<128x64xf32, #tpu.memory_space<vmem>>
          %parallel_loop3A_223 = arith.index_cast %parallel_loop3A_205 : i32 to index
          %parallel_loop3A_224 = arith.constant 16 : index
          %parallel_loop3A_225 = tpu.vector_load %parallel_loop3A_222[%parallel_loop3A_223, %parallel_loop3A_224] {strides = array<i32>} : memref<128x64xf32, #tpu.memory_space<vmem>>, vector<16xf32>,
          %parallel_loop3A_226 = arith.constant 0 : i32
          %parallel_loop3A_227 = arith.constant 0 : i32
          %parallel_loop3A_228 = arith.constant 0 : i32
          %parallel_loop3A_229 = tpu.memref_slice %arg7[%and3A_164, %parallel_loop3A_226, %parallel_loop3A_227, %parallel_loop3A_228] : memref<4x8x8x129xf32, #tpu.memory_space<vmem>> -> memref<1x8x8x129xf32, #tpu.memory_space<vmem>>
          %parallel_loop3A_230 = tpu.memref_squeeze %parallel_loop3A_229 : memref<1x8x8x129xf32, #tpu.memory_space<vmem>> -> memref<8x8x129xf32, #tpu.memory_space<vmem>>
          tpu.vector_store_idx %parallel_loop3A_230[%shift_right_logical3A_13, %and3A_36, %parallel_loop3A_206], %parallel_loop3A_225 : memref<8x8x129xf32, #tpu.memory_space<vmem>>[vector<16xi32>, vector<16xi32>, vector<16xi32>], vector<16xf32>,
          %parallel_loop3A_231 = arith.constant 0 : i32
          %parallel_loop3A_232 = arith.constant 0 : i32
          %parallel_loop3A_233 = tpu.memref_slice %arg6[%and3A_162, %parallel_loop3A_231, %parallel_loop3A_232] : memref<8x128x64xf32, #tpu.memory_space<vmem>> -> memref<1x128x64xf32, #tpu.memory_space<vmem>>
          %parallel_loop3A_234 = tpu.memref_squeeze %parallel_loop3A_233 : memref<1x128x64xf32, #tpu.memory_space<vmem>> -> memref<128x64xf32, #tpu.memory_space<vmem>>
          %parallel_loop3A_235 = arith.index_cast %parallel_loop3A_205 : i32 to index
          %parallel_loop3A_236 = arith.constant 32 : index
          %parallel_loop3A_237 = tpu.vector_load %parallel_loop3A_234[%parallel_loop3A_235, %parallel_loop3A_236] {strides = array<i32>} : memref<128x64xf32, #tpu.memory_space<vmem>>, vector<16xf32>,
          %parallel_loop3A_238 = arith.constant 0 : i32
          %parallel_loop3A_239 = arith.constant 0 : i32
          %parallel_loop3A_240 = arith.constant 0 : i32
          %parallel_loop3A_241 = tpu.memref_slice %arg7[%and3A_164, %parallel_loop3A_238, %parallel_loop3A_239, %parallel_loop3A_240] : memref<4x8x8x129xf32, #tpu.memory_space<vmem>> -> memref<1x8x8x129xf32, #tpu.memory_space<vmem>>
          %parallel_loop3A_242 = tpu.memref_squeeze %parallel_loop3A_241 : memref<1x8x8x129xf32, #tpu.memory_space<vmem>> -> memref<8x8x129xf32, #tpu.memory_space<vmem>>
          tpu.vector_store_idx %parallel_loop3A_242[%shift_right_logical3A_19, %and3A_42, %parallel_loop3A_206], %parallel_loop3A_237 : memref<8x8x129xf32, #tpu.memory_space<vmem>>[vector<16xi32>, vector<16xi32>, vector<16xi32>], vector<16xf32>,
          %parallel_loop3A_243 = arith.constant 0 : i32
          %parallel_loop3A_244 = arith.constant 0 : i32
          %parallel_loop3A_245 = tpu.memref_slice %arg6[%and3A_162, %parallel_loop3A_243, %parallel_loop3A_244] : memref<8x128x64xf32, #tpu.memory_space<vmem>> -> memref<1x128x64xf32, #tpu.memory_space<vmem>>
          %parallel_loop3A_246 = tpu.memref_squeeze %parallel_loop3A_245 : memref<1x128x64xf32, #tpu.memory_space<vmem>> -> memref<128x64xf32, #tpu.memory_space<vmem>>
          %parallel_loop3A_247 = arith.index_cast %parallel_loop3A_205 : i32 to index
          %parallel_loop3A_248 = arith.constant 48 : index
          %parallel_loop3A_249 = tpu.vector_load %parallel_loop3A_246[%parallel_loop3A_247, %parallel_loop3A_248] {strides = array<i32>} : memref<128x64xf32, #tpu.memory_space<vmem>>, vector<16xf32>,
          %parallel_loop3A_250 = arith.constant 0 : i32
          %parallel_loop3A_251 = arith.constant 0 : i32
          %parallel_loop3A_252 = arith.constant 0 : i32
          %parallel_loop3A_253 = tpu.memref_slice %arg7[%and3A_164, %parallel_loop3A_250, %parallel_loop3A_251, %parallel_loop3A_252] : memref<4x8x8x129xf32, #tpu.memory_space<vmem>> -> memref<1x8x8x129xf32, #tpu.memory_space<vmem>>
          %parallel_loop3A_254 = tpu.memref_squeeze %parallel_loop3A_253 : memref<1x8x8x129xf32, #tpu.memory_space<vmem>> -> memref<8x8x129xf32, #tpu.memory_space<vmem>>
          tpu.vector_store_idx %parallel_loop3A_254[%shift_right_logical3A_25, %and3A_48, %parallel_loop3A_206], %parallel_loop3A_249 : memref<8x8x129xf32, #tpu.memory_space<vmem>>[vector<16xi32>, vector<16xi32>, vector<16xi32>], vector<16xf32>,
        } {sc.loop_unroll_factor = 4 : i64, sc.parallel_access}
        %dma_start3A = arith.constant 0 : i32
        %dma_start3A_184 = arith.constant 0 : i32
        %dma_start3A_185 = arith.constant 0 : i32
        %dma_start3A_186 = tpu.memref_slice %arg7[%and3A_164, %dma_start3A, %dma_start3A_184, %dma_start3A_185] : memref<4x8x8x129xf32, #tpu.memory_space<vmem>> -> memref<1x8x8x128xf32, #tpu.memory_space<vmem>>
        %dma_start3A_187 = tpu.memref_squeeze %dma_start3A_186 : memref<1x8x8x128xf32, #tpu.memory_space<vmem>> -> memref<8x8x128xf32, #tpu.memory_space<vmem>>
        %dma_start3A_188 = arith.constant 0 : i32
        %dma_start3A_189 = arith.constant 0 : i32
        %dma_start3A_190 = arith.constant 0 : i32
        %dma_start3A_191 = tpu.memref_slice %arg4[%sub3A_160, %dma_start3A_188, %add3A, %dma_start3A_189, %dma_start3A_190] : memref<200x8x32x8x128xf32, #tpu.memory_space<hbm>> -> memref<1x8x1x8x128xf32, #tpu.memory_space<hbm>>
        %dma_start3A_192 = tpu.memref_squeeze %dma_start3A_191 : memref<1x8x1x8x128xf32, #tpu.memory_space<hbm>> -> memref<8x8x128xf32, #tpu.memory_space<hbm>>
        %dma_start3A_193 = tpu.memref_slice %arg9[%and3A_164] : memref<4x!tpu.dma_semaphore, #tpu.memory_space<semaphore_mem>> -> memref<1x!tpu.dma_semaphore, #tpu.memory_space<semaphore_mem>>
        %dma_start3A_194 = tpu.memref_squeeze %dma_start3A_193 : memref<1x!tpu.dma_semaphore, #tpu.memory_space<semaphore_mem>> -> memref<!tpu.dma_semaphore, #tpu.memory_space<semaphore_mem>>
        %dma_start3A_195 = arith.constant 0 : i32
        %dma_start3A_196 = arith.constant 0 : i32
        %dma_start3A_197 = arith.constant 0 : i32
        %dma_start3A_198 = tpu.memref_slice %arg4[%sub3A_160, %dma_start3A_195, %add3A, %dma_start3A_196, %dma_start3A_197] : memref<200x8x32x8x128xf32, #tpu.memory_space<hbm>> -> memref<1x8x1x8x128xf32, #tpu.memory_space<hbm>>
        %dma_start3A_199 = tpu.memref_squeeze %dma_start3A_198 : memref<1x8x1x8x128xf32, #tpu.memory_space<hbm>> -> memref<8x8x128xf32, #tpu.memory_space<hbm>>
        %dma_start3A_200 = arith.constant 0 : i32
        %dma_start3A_201 = arith.constant 0 : i32
        %dma_start3A_202 = arith.constant 0 : i32
        %dma_start3A_203 = tpu.memref_slice %arg7[%and3A_164, %dma_start3A_200, %dma_start3A_201, %dma_start3A_202] : memref<4x8x8x129xf32, #tpu.memory_space<vmem>> -> memref<1x8x8x128xf32, #tpu.memory_space<vmem>>
        %dma_start3A_204 = tpu.memref_squeeze %dma_start3A_203 : memref<1x8x8x128xf32, #tpu.memory_space<vmem>> -> memref<8x8x128xf32, #tpu.memory_space<vmem>>
        tpu.enqueue_dma source(%dma_start3A_204 : memref<8x8x128xf32, #tpu.memory_space<vmem>>) target(%dma_start3A_199 : memref<8x8x128xf32, #tpu.memory_space<hbm>>) target_semaphore(%dma_start3A_194 : memref<!tpu.dma_semaphore, #tpu.memory_space<semaphore_mem>>)
      } else {
      }
    }
    %scan3A_53 = arith.constant 204 : i32
    %dma_wait3A = arith.constant 0 : i32
    %dma_wait3A_54 = arith.constant 0 : i32
    %dma_wait3A_55 = arith.constant 0 : i32
    %dma_wait3A_56 = arith.constant 0 : i32
    %dma_wait3A_57 = arith.constant 0 : i32
    %dma_wait3A_58 = arith.constant 0 : i32
    %dma_wait3A_59 = tpu.memref_slice %arg7[%dma_wait3A, %dma_wait3A_56, %dma_wait3A_57, %dma_wait3A_58] : memref<4x8x8x129xf32, #tpu.memory_space<vmem>> -> memref<1x8x8x128xf32, #tpu.memory_space<vmem>>
    %dma_wait3A_60 = tpu.memref_squeeze %dma_wait3A_59 : memref<1x8x8x128xf32, #tpu.memory_space<vmem>> -> memref<8x8x128xf32, #tpu.memory_space<vmem>>
    %dma_wait3A_61 = arith.constant 0 : i32
    %dma_wait3A_62 = arith.constant 0 : i32
    %dma_wait3A_63 = arith.constant 0 : i32
    %dma_wait3A_64 = tpu.memref_slice %arg4[%dma_wait3A_54, %dma_wait3A_61, %add3A, %dma_wait3A_62, %dma_wait3A_63] : memref<200x8x32x8x128xf32, #tpu.memory_space<hbm>> -> memref<1x8x1x8x128xf32, #tpu.memory_space<hbm>>
    %dma_wait3A_65 = tpu.memref_squeeze %dma_wait3A_64 : memref<1x8x1x8x128xf32, #tpu.memory_space<hbm>> -> memref<8x8x128xf32, #tpu.memory_space<hbm>>
    %dma_wait3A_66 = tpu.memref_slice %arg9[%dma_wait3A_55] : memref<4x!tpu.dma_semaphore, #tpu.memory_space<semaphore_mem>> -> memref<1x!tpu.dma_semaphore, #tpu.memory_space<semaphore_mem>>
    %dma_wait3A_67 = tpu.memref_squeeze %dma_wait3A_66 : memref<1x!tpu.dma_semaphore, #tpu.memory_space<semaphore_mem>> -> memref<!tpu.dma_semaphore, #tpu.memory_space<semaphore_mem>>
    %dma_wait3A_68 = arith.constant 0 : i32
    %dma_wait3A_69 = arith.constant 0 : i32
    %dma_wait3A_70 = arith.constant 0 : i32
    %dma_wait3A_71 = tpu.memref_slice %arg4[%dma_wait3A_54, %dma_wait3A_68, %add3A, %dma_wait3A_69, %dma_wait3A_70] : memref<200x8x32x8x128xf32, #tpu.memory_space<hbm>> -> memref<1x8x1x8x128xf32, #tpu.memory_space<hbm>>
    %dma_wait3A_72 = tpu.memref_squeeze %dma_wait3A_71 : memref<1x8x1x8x128xf32, #tpu.memory_space<hbm>> -> memref<8x8x128xf32, #tpu.memory_space<hbm>>
    %dma_wait3A_73 = arith.constant 0 : i32
    %dma_wait3A_74 = arith.constant 0 : i32
    %dma_wait3A_75 = arith.constant 0 : i32
    %dma_wait3A_76 = tpu.memref_slice %arg7[%dma_wait3A, %dma_wait3A_73, %dma_wait3A_74, %dma_wait3A_75] : memref<4x8x8x129xf32, #tpu.memory_space<vmem>> -> memref<1x8x8x128xf32, #tpu.memory_space<vmem>>
    %dma_wait3A_77 = tpu.memref_squeeze %dma_wait3A_76 : memref<1x8x8x128xf32, #tpu.memory_space<vmem>> -> memref<8x8x128xf32, #tpu.memory_space<vmem>>
    tpu.wait_dma2 semaphore(%dma_wait3A_67 : memref<!tpu.dma_semaphore, #tpu.memory_space<semaphore_mem>>) src(%dma_wait3A_77 : memref<8x8x128xf32, #tpu.memory_space<vmem>>) dst(%dma_wait3A_72 : memref<8x8x128xf32, #tpu.memory_space<hbm>>)
    %dma_wait3A_78 = arith.constant 1 : i32
    %dma_wait3A_79 = arith.constant 0 : i32
    %dma_wait3A_80 = arith.constant 1 : i32
    %dma_wait3A_81 = arith.constant 0 : i32
    %dma_wait3A_82 = arith.constant 0 : i32
    %dma_wait3A_83 = arith.constant 0 : i32
    %dma_wait3A_84 = tpu.memref_slice %arg7[%dma_wait3A_78, %dma_wait3A_81, %dma_wait3A_82, %dma_wait3A_83] : memref<4x8x8x129xf32, #tpu.memory_space<vmem>> -> memref<1x8x8x128xf32, #tpu.memory_space<vmem>>
    %dma_wait3A_85 = tpu.memref_squeeze %dma_wait3A_84 : memref<1x8x8x128xf32, #tpu.memory_space<vmem>> -> memref<8x8x128xf32, #tpu.memory_space<vmem>>
    %dma_wait3A_86 = arith.constant 0 : i32
    %dma_wait3A_87 = arith.constant 0 : i32
    %dma_wait3A_88 = arith.constant 0 : i32
    %dma_wait3A_89 = tpu.memref_slice %arg4[%dma_wait3A_79, %dma_wait3A_86, %add3A, %dma_wait3A_87, %dma_wait3A_88] : memref<200x8x32x8x128xf32, #tpu.memory_space<hbm>> -> memref<1x8x1x8x128xf32, #tpu.memory_space<hbm>>
    %dma_wait3A_90 = tpu.memref_squeeze %dma_wait3A_89 : memref<1x8x1x8x128xf32, #tpu.memory_space<hbm>> -> memref<8x8x128xf32, #tpu.memory_space<hbm>>
    %dma_wait3A_91 = tpu.memref_slice %arg9[%dma_wait3A_80] : memref<4x!tpu.dma_semaphore, #tpu.memory_space<semaphore_mem>> -> memref<1x!tpu.dma_semaphore, #tpu.memory_space<semaphore_mem>>
    %dma_wait3A_92 = tpu.memref_squeeze %dma_wait3A_91 : memref<1x!tpu.dma_semaphore, #tpu.memory_space<semaphore_mem>> -> memref<!tpu.dma_semaphore, #tpu.memory_space<semaphore_mem>>
    %dma_wait3A_93 = arith.constant 0 : i32
    %dma_wait3A_94 = arith.constant 0 : i32
    %dma_wait3A_95 = arith.constant 0 : i32
    %dma_wait3A_96 = tpu.memref_slice %arg4[%dma_wait3A_79, %dma_wait3A_93, %add3A, %dma_wait3A_94, %dma_wait3A_95] : memref<200x8x32x8x128xf32, #tpu.memory_space<hbm>> -> memref<1x8x1x8x128xf32, #tpu.memory_space<hbm>>
    %dma_wait3A_97 = tpu.memref_squeeze %dma_wait3A_96 : memref<1x8x1x8x128xf32, #tpu.memory_space<hbm>> -> memref<8x8x128xf32, #tpu.memory_space<hbm>>
    %dma_wait3A_98 = arith.constant 0 : i32
    %dma_wait3A_99 = arith.constant 0 : i32
    %dma_wait3A_100 = arith.constant 0 : i32
    %dma_wait3A_101 = tpu.memref_slice %arg7[%dma_wait3A_78, %dma_wait3A_98, %dma_wait3A_99, %dma_wait3A_100] : memref<4x8x8x129xf32, #tpu.memory_space<vmem>> -> memref<1x8x8x128xf32, #tpu.memory_space<vmem>>
    %dma_wait3A_102 = tpu.memref_squeeze %dma_wait3A_101 : memref<1x8x8x128xf32, #tpu.memory_space<vmem>> -> memref<8x8x128xf32, #tpu.memory_space<vmem>>
    tpu.wait_dma2 semaphore(%dma_wait3A_92 : memref<!tpu.dma_semaphore, #tpu.memory_space<semaphore_mem>>) src(%dma_wait3A_102 : memref<8x8x128xf32, #tpu.memory_space<vmem>>) dst(%dma_wait3A_97 : memref<8x8x128xf32, #tpu.memory_space<hbm>>)
    %dma_wait3A_103 = arith.constant 2 : i32
    %dma_wait3A_104 = arith.constant 0 : i32
    %dma_wait3A_105 = arith.constant 2 : i32
    %dma_wait3A_106 = arith.constant 0 : i32
    %dma_wait3A_107 = arith.constant 0 : i32
    %dma_wait3A_108 = arith.constant 0 : i32
    %dma_wait3A_109 = tpu.memref_slice %arg7[%dma_wait3A_103, %dma_wait3A_106, %dma_wait3A_107, %dma_wait3A_108] : memref<4x8x8x129xf32, #tpu.memory_space<vmem>> -> memref<1x8x8x128xf32, #tpu.memory_space<vmem>>
    %dma_wait3A_110 = tpu.memref_squeeze %dma_wait3A_109 : memref<1x8x8x128xf32, #tpu.memory_space<vmem>> -> memref<8x8x128xf32, #tpu.memory_space<vmem>>
    %dma_wait3A_111 = arith.constant 0 : i32
    %dma_wait3A_112 = arith.constant 0 : i32
    %dma_wait3A_113 = arith.constant 0 : i32
    %dma_wait3A_114 = tpu.memref_slice %arg4[%dma_wait3A_104, %dma_wait3A_111, %add3A, %dma_wait3A_112, %dma_wait3A_113] : memref<200x8x32x8x128xf32, #tpu.memory_space<hbm>> -> memref<1x8x1x8x128xf32, #tpu.memory_space<hbm>>
    %dma_wait3A_115 = tpu.memref_squeeze %dma_wait3A_114 : memref<1x8x1x8x128xf32, #tpu.memory_space<hbm>> -> memref<8x8x128xf32, #tpu.memory_space<hbm>>
    %dma_wait3A_116 = tpu.memref_slice %arg9[%dma_wait3A_105] : memref<4x!tpu.dma_semaphore, #tpu.memory_space<semaphore_mem>> -> memref<1x!tpu.dma_semaphore, #tpu.memory_space<semaphore_mem>>
    %dma_wait3A_117 = tpu.memref_squeeze %dma_wait3A_116 : memref<1x!tpu.dma_semaphore, #tpu.memory_space<semaphore_mem>> -> memref<!tpu.dma_semaphore, #tpu.memory_space<semaphore_mem>>
    %dma_wait3A_118 = arith.constant 0 : i32
    %dma_wait3A_119 = arith.constant 0 : i32
    %dma_wait3A_120 = arith.constant 0 : i32
    %dma_wait3A_121 = tpu.memref_slice %arg4[%dma_wait3A_104, %dma_wait3A_118, %add3A, %dma_wait3A_119, %dma_wait3A_120] : memref<200x8x32x8x128xf32, #tpu.memory_space<hbm>> -> memref<1x8x1x8x128xf32, #tpu.memory_space<hbm>>
    %dma_wait3A_122 = tpu.memref_squeeze %dma_wait3A_121 : memref<1x8x1x8x128xf32, #tpu.memory_space<hbm>> -> memref<8x8x128xf32, #tpu.memory_space<hbm>>
    %dma_wait3A_123 = arith.constant 0 : i32
    %dma_wait3A_124 = arith.constant 0 : i32
    %dma_wait3A_125 = arith.constant 0 : i32
    %dma_wait3A_126 = tpu.memref_slice %arg7[%dma_wait3A_103, %dma_wait3A_123, %dma_wait3A_124, %dma_wait3A_125] : memref<4x8x8x129xf32, #tpu.memory_space<vmem>> -> memref<1x8x8x128xf32, #tpu.memory_space<vmem>>
    %dma_wait3A_127 = tpu.memref_squeeze %dma_wait3A_126 : memref<1x8x8x128xf32, #tpu.memory_space<vmem>> -> memref<8x8x128xf32, #tpu.memory_space<vmem>>
    tpu.wait_dma2 semaphore(%dma_wait3A_117 : memref<!tpu.dma_semaphore, #tpu.memory_space<semaphore_mem>>) src(%dma_wait3A_127 : memref<8x8x128xf32, #tpu.memory_space<vmem>>) dst(%dma_wait3A_122 : memref<8x8x128xf32, #tpu.memory_space<hbm>>)
    %dma_wait3A_128 = arith.constant 3 : i32
    %dma_wait3A_129 = arith.constant 0 : i32
    %dma_wait3A_130 = arith.constant 3 : i32
    %dma_wait3A_131 = arith.constant 0 : i32
    %dma_wait3A_132 = arith.constant 0 : i32
    %dma_wait3A_133 = arith.constant 0 : i32
    %dma_wait3A_134 = tpu.memref_slice %arg7[%dma_wait3A_128, %dma_wait3A_131, %dma_wait3A_132, %dma_wait3A_133] : memref<4x8x8x129xf32, #tpu.memory_space<vmem>> -> memref<1x8x8x128xf32, #tpu.memory_space<vmem>>
    %dma_wait3A_135 = tpu.memref_squeeze %dma_wait3A_134 : memref<1x8x8x128xf32, #tpu.memory_space<vmem>> -> memref<8x8x128xf32, #tpu.memory_space<vmem>>
    %dma_wait3A_136 = arith.constant 0 : i32
    %dma_wait3A_137 = arith.constant 0 : i32
    %dma_wait3A_138 = arith.constant 0 : i32
    %dma_wait3A_139 = tpu.memref_slice %arg4[%dma_wait3A_129, %dma_wait3A_136, %add3A, %dma_wait3A_137, %dma_wait3A_138] : memref<200x8x32x8x128xf32, #tpu.memory_space<hbm>> -> memref<1x8x1x8x128xf32, #tpu.memory_space<hbm>>
    %dma_wait3A_140 = tpu.memref_squeeze %dma_wait3A_139 : memref<1x8x1x8x128xf32, #tpu.memory_space<hbm>> -> memref<8x8x128xf32, #tpu.memory_space<hbm>>
    %dma_wait3A_141 = tpu.memref_slice %arg9[%dma_wait3A_130] : memref<4x!tpu.dma_semaphore, #tpu.memory_space<semaphore_mem>> -> memref<1x!tpu.dma_semaphore, #tpu.memory_space<semaphore_mem>>
    %dma_wait3A_142 = tpu.memref_squeeze %dma_wait3A_141 : memref<1x!tpu.dma_semaphore, #tpu.memory_space<semaphore_mem>> -> memref<!tpu.dma_semaphore, #tpu.memory_space<semaphore_mem>>
    %dma_wait3A_143 = arith.constant 0 : i32
    %dma_wait3A_144 = arith.constant 0 : i32
    %dma_wait3A_145 = arith.constant 0 : i32
    %dma_wait3A_146 = tpu.memref_slice %arg4[%dma_wait3A_129, %dma_wait3A_143, %add3A, %dma_wait3A_144, %dma_wait3A_145] : memref<200x8x32x8x128xf32, #tpu.memory_space<hbm>> -> memref<1x8x1x8x128xf32, #tpu.memory_space<hbm>>
    %dma_wait3A_147 = tpu.memref_squeeze %dma_wait3A_146 : memref<1x8x1x8x128xf32, #tpu.memory_space<hbm>> -> memref<8x8x128xf32, #tpu.memory_space<hbm>>
    %dma_wait3A_148 = arith.constant 0 : i32
    %dma_wait3A_149 = arith.constant 0 : i32
    %dma_wait3A_150 = arith.constant 0 : i32
    %dma_wait3A_151 = tpu.memref_slice %arg7[%dma_wait3A_128, %dma_wait3A_148, %dma_wait3A_149, %dma_wait3A_150] : memref<4x8x8x129xf32, #tpu.memory_space<vmem>> -> memref<1x8x8x128xf32, #tpu.memory_space<vmem>>
    %dma_wait3A_152 = tpu.memref_squeeze %dma_wait3A_151 : memref<1x8x8x128xf32, #tpu.memory_space<vmem>> -> memref<8x8x128xf32, #tpu.memory_space<vmem>>
    tpu.wait_dma2 semaphore(%dma_wait3A_142 : memref<!tpu.dma_semaphore, #tpu.memory_space<semaphore_mem>>) src(%dma_wait3A_152 : memref<8x8x128xf32, #tpu.memory_space<vmem>>) dst(%dma_wait3A_147 : memref<8x8x128xf32, #tpu.memory_space<hbm>>)
    return
  }
}

</mosaic_0001>

<sc_bundles>
// kernel: kernel.3.cloned.1.call-start
scs
__scs_entry_jumppad:
0x0: {  	(pc) =	sbr.rel $0x88, $3  }
0x1: {  	(tag) =	ssettag $0x0;
	lr =	simm.s32 $0x1  }
0x2: {  	[smem:$0x3F9F] =	sst lr;
	_ =	strace $0xD0000000  }
0x3: {  	_ = 	snop  }
0x4: {  	_ = 	snop  }
0x5: {  	_ = 	snop  }
0x6: {  	_ = 	snop  }
0x7: {  	_ = 	snop  }
__scs_overlays_trampoline_lowered:
0x8: {  	[smem:$0x3FAE] =	sst s0  }
0x9: {  	[smem:$0x3FAF] =	sst s1  }
0xa: {  	[smem:$0x3FB0] =	sst s2  }
0xb: {  	[smem:$0x3FB1] =	sst s3  }
0xc: {  	[smem:$0x3FB2] =	sst s4  }
0xd: {  	[smem:$0x3FB3] =	sst s5  }
0xe: {  	[smem:$0x3FB4] =	sst s6  }
0xf: {  	[smem:$0x3FB5] =	sst s7  }
0x10: {  	[smem:$0x3FB6] =	sst s8  }
0x11: {  	[smem:$0x3FB7] =	sst s9;
	s0 =	simm.s32 @!p0 $0x0  }
0x12: {  	s1 =	sld [smem:$0x3F9D];
	s0 =	simm.s32 @p0 $0x1  }
0x13: {  	[smem:$0x3FB8] =	sst s0;
	s0 =	simm.s32 @!p1 $0x0  }
0x14: {  	s2 =	sld [smem:$0x3F9C];
	s0 =	simm.s32 @p1 $0x1  }
0x15: {  	[smem:$0x3FB9] =	sst s0;
	s0 =	simm.s32 @!p2 $0x0  }
0x16: {  	s3 =	sld [smem:$0x3FDB];
	s0 =	simm.s32 @p2 $0x1  }
0x17: {  	s4 =	simm.s32 $0x1BF5;
	[smem:$0x3FBB] =	sst s0  }
0x18: {  	s0 =	sld [smem:$0x3F9E];
	_ =	swait.ge [sflag:s4], $0x0  }
0x19: {  	s7 =	sld [smem:$0x3F9F]  }
0x1a: {  	s8 =	sadd.s32 $0xFFFFE003, lr  }
0x1b: {  	s9 =	sadd.s32 $0xFFFFFEF7, lr;
	s5 =	simm.s32 $0xFFFFFFFF;
	p2 =	slt.u32 s8, $0xFFFFF086  }
0x1c: {  	p1 =	slt.u32 s9, $0xF7A;
	s5 =	simm.s32 @!p2 $0x0  }
0x1d: {  	s5 =	simm.s32 @p1 $0x1;
	p0 =	seq.s32 s7, s2  }
0x1e: {  	s7 =	smul.u32 @!p0 $0xF7A, s2;
	p2 =	seq.s32 @!p0 s5, $0x0  }
0x1f: {  	s9 =	smul.u32 $0xF7A, s1;
	s8 =	simm.s32 @!p0 $0x1BF5;
	p2 =	por !p2, p0  }
0x20: {  	[sflag:s8] =	ssyncset.s32 @!p0 $0xFFFFF086;
	s6 =	sadd.s32 @!p0 s3, s7;
	s7 =	simm.s32 @!p0 $0x108  }
0x21: {  	s3 =	sadd.s32 s3, s9;
	s6 =	sadd.s32 @!p0 $0x88, s6;
	s7 =	simm.s32 @p2 $0x1082  }
0x22: {  	[simem:s7], [sflag:s8] =	dma.local @!p0 [hbm:s6], $0xF7A  }
0x23: {  	s9 =	sor.u32 $0xD0000000, s2;
	s6 =	simm.s32 $0x108;
	_ =	swait.ge @!p0 [sflag:s8], $0x0  }
0x24: {  	s3 =	sadd.s32 $0x88, s3;
	s6 =	simm.s32 @!p1 $0x1082;
	[sflag:s4] =	ssyncset.s32 $0xFFFFF086  }
0x25: {  	[simem:s6], [sflag:s4] =	dma.local [hbm:s3], $0xF7A  }
0x26: {  	[smem:$0x3F9F] =	sst s1;
	(tag) =	ssettag s2;
	_ =	strace s9  }
0x27: {  	s1 =	sld [smem:$0x3FAF]  }
0x28: {  	s2 =	sld [smem:$0x3FB0]  }
0x29: {  	s4 =	sld [smem:$0x3FB2]  }
0x2a: {  	p0 =	seq.s32 s5, $0x0;
	s5 =	sld [smem:$0x3FB3]  }
0x2b: {  	s6 =	sld [smem:$0x3FB4]  }
0x2c: {  	s7 =	sld [smem:$0x3FB5]  }
0x2d: {  	s3 =	simm.s32 $0x108;
	s8 =	sld [smem:$0x3FB6]  }
0x2e: {  	s3 =	simm.s32 @!p0 $0x1082;
	s9 =	sld [smem:$0x3FB7]  }
0x2f: {  	lr =	sadd.s32 s0, s3;
	s0 =	sld [smem:$0x3FAE]  }
0x30: {  	s3 =	sld [smem:$0x3FB1]  }
0x31: {  	[smem:$0x3FBA] =	sst s10  }
0x32: {  	s10 =	sld [smem:$0x3FB8];
	_ =	sdelay $0x3  }
0x33: {  	p0 =	seq.s32 s10, $0x1;
	s10 =	sld [smem:$0x3FBA];
	_ =	sdelay $0x3  }
0x34: {  	[smem:$0x3FBA] =	sst s10  }
0x35: {  	s10 =	sld [smem:$0x3FB9];
	_ =	sdelay $0x3  }
0x36: {  	p1 =	seq.s32 s10, $0x1;
	s10 =	sld [smem:$0x3FBA];
	_ =	sdelay $0x3  }
0x37: {  	[smem:$0x3FBA] =	sst s10  }
0x38: {  	s10 =	sld [smem:$0x3FBB]  }
0x39: {  	_ = 	snop;
	(pc) =	sbr.ind lr, $3  }
0x3a: {  	_ = 	snop  }
0x3b: {  	_ = 	snop  }
0x3c: {  	p2 =	seq.s32 s10, $0x1;
	s10 =	sld [smem:$0x3FBA]  }
0x3d: {  	_ =	shalt  }
0x3e: {  	_ =	shalt  }
0x3f: {  	_ =	shalt  }
0x40: {  	_ =	shalt  }
0x41: {  	_ =	shalt  }
0x42: {  	_ =	shalt  }
0x43: {  	_ =	shalt  }
0x44: {  	_ =	shalt  }
0x45: {  	_ =	shalt  }
0x46: {  	_ =	shalt  }
0x47: {  	_ =	shalt  }
0x48: {  	_ =	shalt  }
0x49: {  	_ =	shalt  }
0x4a: {  	_ =	shalt  }
0x4b: {  	_ =	shalt  }
0x4c: {  	_ =	shalt  }
0x4d: {  	_ =	shalt  }
0x4e: {  	_ =	shalt  }
0x4f: {  	_ =	shalt  }
0x50: {  	_ =	shalt  }
0x51: {  	_ =	shalt  }
0x52: {  	_ =	shalt  }
0x53: {  	_ =	shalt  }
0x54: {  	_ =	shalt  }
0x55: {  	_ =	shalt  }
0x56: {  	_ =	shalt  }
0x57: {  	_ =	shalt  }
0x58: {  	_ =	shalt  }
0x59: {  	_ =	shalt  }
0x5a: {  	_ =	shalt  }
0x5b: {  	_ =	shalt  }
0x5c: {  	_ =	shalt  }
0x5d: {  	_ =	shalt  }
0x5e: {  	_ =	shalt  }
0x5f: {  	_ =	shalt  }
0x60: {  	_ =	shalt  }
0x61: {  	_ =	shalt  }
0x62: {  	_ =	shalt  }
0x63: {  	_ =	shalt  }
0x64: {  	_ =	shalt  }
0x65: {  	_ =	shalt  }
0x66: {  	_ =	shalt  }
0x67: {  	_ =	shalt  }
0x68: {  	_ =	shalt  }
0x69: {  	_ =	shalt  }
0x6a: {  	_ =	shalt  }
0x6b: {  	_ =	shalt  }
0x6c: {  	_ =	shalt  }
0x6d: {  	_ =	shalt  }
0x6e: {  	_ =	shalt  }
0x6f: {  	_ =	shalt  }
0x70: {  	_ =	shalt  }
0x71: {  	_ =	shalt  }
0x72: {  	_ =	shalt  }
0x73: {  	_ =	shalt  }
0x74: {  	_ =	shalt  }
0x75: {  	_ =	shalt  }
0x76: {  	_ =	shalt  }
0x77: {  	_ =	shalt  }
0x78: {  	_ =	shalt  }
0x79: {  	_ =	shalt  }
0x7a: {  	_ =	shalt  }
0x7b: {  	_ =	shalt  }
0x7c: {  	_ =	shalt  }
0x7d: {  	_ =	shalt  }
0x7e: {  	_ =	shalt  }
0x7f: {  	_ =	shalt  }
0x80: {  	_ =	shalt  }
0x81: {  	_ =	shalt  }
0x82: {  	_ =	shalt  }
0x83: {  	_ =	shalt  }
0x84: {  	_ =	shalt  }
0x85: {  	_ =	shalt  }
0x86: {  	_ =	shalt  }
0x87: {  	_ =	shalt  }
.Lfunc_end0:
.L_simem_size_0:
called_computation_lowered:
.L_overlay_start_0:
0x88: {  	s2 =	sld [smem:$0x3FD9]  }
0x89: {  	s3 =	sld [smem:$0x3FFE];
	_ =	sdelay $0x1  }
0x8a: {  	s1 =	srdreg.scid  }
0x8b: {  	s0 =	sand.u32 $0x1, s1  }
0x8c: {  	s17 =	sshll.u32 s0, $0xA;
	s2 =	sadd.s32 s3, s2  }
0x8d: {  	s2 =	sadd.s32 s2, s17  }
0x8e: {  	[smem:$0x3FC6] =	sst s2  }
0x8f: {  	_ = 	snop  }
0x90: {  	s2 =	sld [smem:$0x3FD0];
	(tm) =	ssettm $0x1  }
0x91: {  	s18 =	sld [smem:$0x3FFB];
	_ =	sdelay $0x3  }
0x92: {  	_ =	strace s18  }
0x93: {  	s3 =	sld [smem:$0x3FFC];
	_ =	sdelay $0x3  }
0x94: {  	_ =	strace s3  }
0x95: {  	s3 =	sld [smem:$0x3FFD];
	_ =	sdelay $0x3  }
0x96: {  	_ =	strace s3  }
0x97: {  	_ =	strace $0x8FFFFFFF  }
0x98: {  	s19 =	sld [smem:$0x3FDB];
	_ =	sdelay $0x1  }
0x99: {  	s4 =	simm.s32 $_scs_section_size  }
0x9a: {  	s5 =	simm.s32 $_size__tile_overlayer_lowered;
	s6 =	simm.s32 $_tile_overlayer_lowered  }
0x9b: {  	s22 =	simm.s32 $0x1BFF;
	s21 =	sshll.u32 s6, $0x1;
	s3 =	sadd.s32 s4, s19  }
0x9c: {  	s7 =	simm.s32 $0x0;
	s20 =	sshll.u32 s5, $0x1;
	s5 =	sadd.s32 s21, s3  }
0x9d: {  	[timem:s7], [sflag:s22] =	dma.local [hbm:s5], s20  }
0x9e: {  	_ =	swait.ge [sflag:s22], s20  }
0x9f: {  	s4 =	ssub.s32 $0x0, s20;
	[sflag:s22] =	ssyncset.done $0x0  }
0xa0: {  	[sflag:s22] =	ssyncadd.s32 s4;
	_ =	sdelay $0x1  }
0xa1: {  	s23 =	simm.s32 $0x1B8B  }
0xa2: {  	_ =	swait.ge [sflag:s23], $0x1  }
0xa3: {  	[sflag:s23] =	ssyncset.done $0x0  }
0xa4: {  	s25 =	simm.s32 $0x1B8E;
	s24 =	sld [smem:$0x3FFE];
	[sflag:s23] =	ssyncadd.s32 $0xFFFFFFFF  }
0xa5: {  	s26 =	simm.s32 $execute0_lowered;
	[smem:$0x3FD2] =	sst s25  }
0xa6: {  	s5 =	sshll.u32 s26, $0x1;
	_ =	strace $0x80000046;
	[dreg:$0x1] =	wrdreg $0xFFFFFFFF  }
0xa7: {  	s28 =	simm.s32 $_size_execute0_lowered;
	s3 =	sadd.s32 s3, s5;
	[dreg:$0x0] =	wrdreg $0x0  }
0xa8: {  	s5 =	sshll.u32 s28, $0x1;
	[dreg:$0x2] =	wrdreg s3  }
0xa9: {  	[dreg:$0x3] =	wrdreg s5  }
0xaa: {  	[dreg:$0x4] =	wrdreg $0xC0  }
0xab: {  	_ =	task [dreg:s7], $0x5FFFF  }
0xac: {  	[dreg:$0x1] =	wrdreg $0xFFFFFFFF  }
0xad: {  	[dreg:$0x0] =	wrdreg $0x60  }
0xae: {  	[dreg:$0x2] =	wrdreg s24  }
0xaf: {  	[dreg:$0x3] =	wrdreg s2  }
0xb0: {  	[dreg:$0x4] =	wrdreg $0x9  }
0xb1: {  	_ =	task.clear_ibuf [dreg:s7], $0x5FFFF;
	_ =	strace $0x90000046  }
0xb2: {  	s29 =	simm.s32 $0x9;
	_ =	strace $0x80000048  }
0xb3: {  	_ =	swait.ge [sflag:s29], $0x1  }
0xb4: {  	[sflag:s29] =	ssyncadd.s32 $0xFFFFFFFF  }
0xb5: {  	_ =	strace $0x90000048  }
0xb6: {  	_ =	sfence  }
0xb7: {  	s30 =	sld [smem:$0x0];
	_ =	sdelay $0x2  }
0xb8: {  	s31 =	sshll.u32 s1, $0xD;
	s1 =	sshrl.u32 s1, $0x2  }
0xb9: {  	s3 =	sand.u32 $0x4000, s31;
	s1 =	sadd.s32 s1, s30  }
0xba: {  	s0 =	sor.u32 s3, s0;
	s1 =	sshll.u32 s1, $0x11  }
0xbb: {  	s0 =	sor.u32 s1, s0  }
0xbc: {  	s0 =	sadd.s32 $0x8F2B, s0  }
0xbd: {  	[sflag:s0] =	ssyncadd.remote.s32 $0x1  }
0xbe: {  	_ =	sfence.sel $0xFFFF  }
0xbf: {  	[dreg:$0x0] =	wrdreg $0xFFFFFFFF;
	(pc) =	sbr.abs _section_cstart, $3  }
0xc0: {  	[dreg:$0x1] =	wrdreg $0xFFFFFFFF  }
0xc1: {  	_ =	task.clear_ibuf [dreg:s7], $0x2FFFF;
	_ =	strace $0x9FFFFFFF  }
0xc2: {  	(tm) =	ssettm $0x7FFFFFFF  }
0xc3: {  	_ =	shalt  }
tec
execute0_lowered:
.L_overlay_start_1:
0x0: {  	(tag) =	ssettag $0x1  }
0x1: {  	s4 =	rddreg [dreg:$0x0]  }
0x2: {  	s2 =	rddreg [dreg:$0x1]  }
0x3: {  	s0 =	rddreg [dreg:$0x2]  }
0x4: {  	s5 =	srdreg.scid;
	s1 =	stileid.u32  }
0x5: {  	s3 =	simm.s32 $0x0;
	s9 =	simm.s32 $0x1000;
	s10 =	simm.s32 $0xD  }
0x6: {  	s11 =	simm.s32 $0x9;
	s12 =	simm.s32 $0xA;
	s13 =	simm.s32 $0xB  }
0x7: {  	s14 =	simm.s32 $0xC;
	s15 =	simm.s32 $0x0;
	s5 =	sand.u32 $0x1, s5  }
.Ltmp0:
0x8: {  	s6 =	sshll.u32 s1, $0x1;
	[smem:$0x7FF] =	sst s3;
	(pc) =	sbr.rel .LBB2_1-.Ltmp0, $4  }
0x9: {  	v0 =	vlaneseq.u32;
	s6 =	sor.u32 s5, s6;
	_ =	strace $0x80000047;
	s5 =	ssub.s32 $0x2, s5  }
0xa: {  	v0 =	vmul.u32 $0x88, v0;
	s7 =	sshll.u32 s6, $0x4;
	s8 =	sshrl.u32 s5, $0x1;
	s6 =	sshll.u32 s6, $0xA  }
0xb: {  	s7 =	sadd.s32 s7, s4;
	s4 =	sadd.s32 $0xF42A00, s4;
	s8 =	ssub.s32 s5, s8  }
0xc: {  	v1 =	vadd.s32 $0x880, v0;
	v2 =	vadd.s32 $0x1100, v0;
	v3 =	vadd.s32 $0x1980, v0;
	s5 =	sadd.s32 $0x600, s7;
	s7 =	smax.u32 s8, $0x1;
	s8 =	simm.s32 $0x80  }
.LBB2_13:
0xd: {  	_ =	swait.ge [sflag:s11], $0x2000  }
0xe: {  	[sflag:s11] =	ssyncset.done $0x0  }
0xf: {  	[sflag:s11] =	ssyncadd.s32 $0xFFFFE000  }
0x10: {  	_ =	swait.ge [sflag:s12], $0x2000  }
0x11: {  	[sflag:s12] =	ssyncset.done $0x0  }
0x12: {  	s15 =	sadd.s32 $0x1, s15;
	[sflag:s12] =	ssyncadd.s32 $0xFFFFE000  }
0x13: {  	p0 =	sne.s32 s15, s7;
	_ =	swait.ge [sflag:s13], $0x2000  }
.Ltmp1:
0x14: {  	[sflag:s13] =	ssyncset.done $0x0;
	(pc) =	sbr.rel @!p0 .LBB2_14-.Ltmp1, $4  }
0x15: {  	[sflag:s13] =	ssyncadd.s32 $0xFFFFE000  }
0x16: {  	_ =	swait.ge [sflag:s14], $0x2000  }
0x17: {  	[sflag:s14] =	ssyncset.done $0x0  }
0x18: {  	[sflag:s14] =	ssyncadd.s32 $0xFFFFE000  }
.LBB2_1:
.Ltmp2:
0x19: {  	(pc) =	sbr.rel .LBB2_2-.Ltmp2, $4  }
0x1a: {  	[tilespmem:s3], [sflag:$0xD] =	stream.strided.gather [hbm4b:s5+s8], $0x6400, s9, s8, $0x38;
	[tilespmem:$0x1EC00] =	vst v63  }
0x1b: {  	_ =	swait.ge [sflag:s10], $0x6400  }
0x1c: {  	[sflag:s10] =	ssyncset.done $0x0  }
0x1d: {  	s16 =	simm.s32 $0x0;
	[sflag:s10] =	ssyncadd.s32 $0xFFFF9C00  }
.LBB2_12:
0x1e: {  	s16 =	sadd.s32 $0x1, s16  }
0x1f: {  	p0 =	sne.s32 s16, $0xCC  }
.Ltmp3:
0x20: {  	_ = 	snop;
	(pc) =	sbr.rel @!p0 .LBB2_13-.Ltmp3, $1  }
0x21: {  	_ =	sdelay $0x3  }
.LBB2_2:
0x22: {  	p0 =	slt.u32 s16, $0xC8  }
.Ltmp4:
0x23: {  	_ = 	snop;
	(pc) =	sbr.rel @!p0 .LBB2_3-.Ltmp4, $1  }
0x24: {  	_ =	sdelay $0x3  }
0x25: {  	p0 =	slt.u32 s16, $0x4  }
.Ltmp5:
0x26: {  	_ = 	snop;
	(pc) =	sbr.rel @p0 .LBB2_12-.Ltmp5, $4  }
0x27: {  	s17 =	sand.u32 $0x7, s16  }
0x28: {  	s19 =	sshll.u32 s16, $0x7;
	s18 =	sshll.u32 s17, $0xD  }
0x29: {  	s19 =	sand.u32 $0x3FFFFF80, s19;
	s17 =	sadd.s32 $0x1, s17;
	s18 =	sadd.s32 $0x6400, s18  }
0x2a: {  	[tilespmem:s18], [sflag:s17] =	stream.indirect.gather [hbm4b:s4+s8], $0x40, s19, s8, $0xb8;
	[tilespmem:$0x1EC00] =	vst v63  }
0x2b: {  	p0 =	slt.u32 s16, $0x8  }
.Ltmp6:
0x2c: {  	_ = 	snop;
	(pc) =	sbr.rel @p0 .LBB2_7-.Ltmp6, $4  }
.Ltmp7:
0x2d: {  	_ = 	snop;
	(pc) =	sbr.rel @!p0 .LBB2_6-.Ltmp7, $4  }
0x2e: {  	_ = 	snop  }
0x2f: {  	s19 =	sadd.s32 $0xFFFFFFFC, s16  }
0x30: {  	s18 =	sand.u32 $0x3, s16;
	s17 =	sand.u32 $0x7, s19  }
0x31: {  	_ = 	snop  }
.LBB2_3:
0x32: {  	s19 =	sadd.s32 $0xFFFFFFFC, s16  }
0x33: {  	s18 =	sand.u32 $0x3, s16;
	s17 =	sand.u32 $0x7, s19  }
.LBB2_6:
0x34: {  	s20 =	sadd.s32 $0x9, s18  }
0x35: {  	_ =	swait.ge [sflag:s20], $0x2000  }
0x36: {  	[sflag:s20] =	ssyncset.done $0x0  }
0x37: {  	[sflag:s20] =	ssyncadd.s32 $0xFFFFE000  }
.LBB2_7:
0x38: {  	s20 =	sadd.s32 $0x1, s17  }
0x39: {  	s21 =	simm.s32 $0x3;
	_ =	swait.ge [sflag:s20], $0x2000  }
0x3a: {  	s22 =	sshll.u32 s17, $0xD;
	s23 =	simm.s32 $0x0;
	v4 =	vmov s21;
	[sflag:s20] =	ssyncset.done $0x0  }
0x3b: {  	s24 =	simm.s32 $0x1;
	s21 =	sadd.s32 $0x6480, s22;
	v5 =	vand.u32 $0x7F, v4;
	v4 =	vmov s23;
	[sflag:s20] =	ssyncadd.s32 $0xFFFFE000  }
0x3c: {  	v8 =	vadd.s32 v0, v5;
	v6 =	vand.u32 $0x7C, v4;
	v4 =	vmov s24;
	v7 =	vld [tilespmem:s21+$0x40]  }
0x3d: {  	s25 =	smul.u32 $0x8800, s18;
	v9 =	vld [tilespmem:s21+$0xFFFFFF80];
	v10 =	vadd.s32 v0, v6;
	v11 =	vand.u32 $0x7D, v4  }
0x3e: {  	s28 =	simm.s32 $0x2;
	v4 =	vld [tilespmem:s21+$0xFFFFFFC0];
	v12 =	vadd.s32 v0, v11  }
0x3f: {  	v13 =	vmov s28;
	s26 =	sshrl.u32 s25, $0x2  }
0x40: {  	v13 =	vand.u32 $0x7E, v13;
	s17 =	sadd.s32 $0x16400, s26  }
0x41: {  	v15 =	vadd.s32 v0, v13;
	v14 =	vld [tilespmem:s21+$0x0];
	[tilespmem:v8+s17+$0x0] =	vst.idx.msk $0xffff, v7  }
0x42: {  	v8 =	vadd.s32 v1, v5;
	[tilespmem:v10+s17+$0x0] =	vst.idx.msk $0xffff, v9;
	v7 =	vld [tilespmem:s21+$0x50]  }
0x43: {  	v10 =	vadd.s32 v1, v6;
	v9 =	vld [tilespmem:s21+$0xFFFFFF90];
	[tilespmem:v12+s17+$0x0] =	vst.idx.msk $0xffff, v4  }
0x44: {  	v12 =	vadd.s32 v1, v11;
	v4 =	vld [tilespmem:s21+$0xFFFFFFD0];
	_ =	sdelay $0x1  }
0x45: {  	[tilespmem:v15+s17+$0x0] =	vst.idx.msk $0xffff, v14  }
0x46: {  	v16 =	vadd.s32 v1, v13;
	v15 =	vld [tilespmem:s21+$0x10];
	[tilespmem:v8+s17+$0x0] =	vst.idx.msk $0xffff, v7  }
0x47: {  	s29 =	simm.s32 $0x7;
	v14 =	vadd.s32 v2, v5;
	[tilespmem:v10+s17+$0x0] =	vst.idx.msk $0xffff, v9;
	v7 =	vld [tilespmem:s21+$0x60]  }
0x48: {  	v10 =	vadd.s32 v2, v6;
	v8 =	vmov s29;
	v9 =	vld [tilespmem:s21+$0xFFFFFFA0];
	[tilespmem:v12+s17+$0x0] =	vst.idx.msk $0xffff, v4  }
0x49: {  	s20 =	sadd.s32 $0x100, s21;
	v17 =	vadd.s32 v2, v11;
	v8 =	vand.u32 $0x7F, v8;
	v12 =	vld [tilespmem:s21+$0xFFFFFFE0]  }
0x4a: {  	s22 =	simm.s32 $0x4;
	v18 =	vld [tilespmem:s20+$0x40];
	v19 =	vadd.s32 v0, v8  }
0x4b: {  	s30 =	simm.s32 $0x5;
	[tilespmem:v16+s17+$0x0] =	vst.idx.msk $0xffff, v15;
	v4 =	vmov s22  }
0x4c: {  	v22 =	vmov s30;
	v4 =	vand.u32 $0x7C, v4;
	[tilespmem:v14+s17+$0x0] =	vst.idx.msk $0xffff, v7  }
0x4d: {  	s31 =	simm.s32 $0x6;
	v20 =	vld [tilespmem:s20+$0xFFFFFF80];
	v21 =	vadd.s32 v0, v4;
	v7 =	vand.u32 $0x7D, v22;
	[tilespmem:v10+s17+$0x0] =	vst.idx.msk $0xffff, v9  }
0x4e: {  	v14 =	vmov s31;
	v9 =	vld [tilespmem:s20+$0xFFFFFFC0];
	v10 =	vadd.s32 v0, v7;
	[tilespmem:v17+s17+$0x0] =	vst.idx.msk $0xffff, v12  }
0x4f: {  	v16 =	vadd.s32 v3, v5;
	v5 =	vand.u32 $0x7E, v14;
	[tilespmem:v19+s17+$0x0] =	vst.idx.msk $0xffff, v18;
	v12 =	vld [tilespmem:s21+$0x20];
	v18 =	vadd.s32 v2, v13  }
0x50: {  	v14 =	vld [tilespmem:s20+$0x0];
	v63 =	vadd.s32 v0, v5  }
0x51: {  	v15 =	vld [tilespmem:s21+$0x70]  }
0x52: {  	[tilespmem:v21+s17+$0x0] =	vst.idx.msk $0xffff, v20;
	v19 =	vld [tilespmem:s20+$0x50];
	v20 =	vadd.s32 v1, v8  }
0x53: {  	v23 =	vadd.s32 v1, v4;
	v21 =	vld [tilespmem:s20+$0xFFFFFF90];
	[tilespmem:v10+s17+$0x0] =	vst.idx.msk $0xffff, v9  }
0x54: {  	v25 =	vadd.s32 v3, v11;
	v24 =	vld [tilespmem:s21+$0xFFFFFFF0];
	[tilespmem:v18+s17+$0x0] =	vst.idx.msk $0xffff, v12  }
0x55: {  	v18 =	vadd.s32 v1, v7;
	v17 =	vld [tilespmem:s20+$0xFFFFFFD0];
	[tilespmem:v63+s17+$0x0] =	vst.idx.msk $0xffff, v14  }
0x56: {  	[tilespmem:v16+s17+$0x0] =	vst.idx.msk $0xffff, v15;
	v16 =	vadd.s32 v1, v5;
	v15 =	vld [tilespmem:s20+$0x10]  }
0x57: {  	[tilespmem:v20+s17+$0x0] =	vst.idx.msk $0xffff, v19;
	v11 =	vld [tilespmem:s21+$0x30];
	v14 =	vadd.s32 v3, v13  }
0x58: {  	v12 =	vadd.s32 v2, v8;
	[tilespmem:v23+s17+$0x0] =	vst.idx.msk $0xffff, v21;
	v9 =	vld [tilespmem:s20+$0x60]  }
0x59: {  	s23 =	simm.s32 $0xC;
	s24 =	simm.s32 $0xB;
	s22 =	simm.s32 $0x8;
	v13 =	vadd.s32 v2, v4;
	[tilespmem:v25+s17+$0x0] =	vst.idx.msk $0xffff, v24;
	v10 =	vld [tilespmem:s20+$0xFFFFFFA0]  }
.LBB2_8:
0x5a: {  	p0 =	slt.u32 s23, $0x7C;
	v19 =	vmov s24;
	[tilespmem:v18+s17+$0x0] =	vst.idx.msk $0xffff, v17;
	v17 =	vld [tilespmem:s21+$0xFFFFFFB0];
	v18 =	vadd.s32 v3, v6;
	v6 =	vmov v4;
	s21 =	smov.u32 s20  }
0x5b: {  	v4 =	vmov s22;
	v21 =	vadd.s32 v2, v7;
	s20 =	sadd.s32 $0x100, s20;
	v19 =	vand.u32 $0x7F, v19;
	v20 =	vld [tilespmem:s21+$0xFFFFFFE0];
	[tilespmem:v16+s17+$0x0] =	vst.idx.msk $0xffff, v15  }
0x5c: {  	s24 =	sadd.s32 $0x1, s22;
	v4 =	vand.u32 $0x7C, v4;
	v15 =	vld [tilespmem:s20+$0x40];
	v16 =	vadd.s32 v0, v19;
	[tilespmem:v14+s17+$0x0] =	vst.idx.msk $0xffff, v11  }
0x5d: {  	v22 =	vmov s24;
	s24 =	sadd.s32 $0x2, s22;
	s22 =	smov.u32 s23;
	v14 =	vadd.s32 v0, v4;
	v11 =	vld [tilespmem:s20+$0xFFFFFF80];
	[tilespmem:v12+s17+$0x0] =	vst.idx.msk $0xffff, v9  }
0x5e: {  	v9 =	vand.u32 $0x7D, v22;
	v12 =	vmov s24;
	[tilespmem:v13+s17+$0x0] =	vst.idx.msk $0xffff, v10;
	v10 =	vld [tilespmem:s21+$0x70];
	v13 =	vadd.s32 v3, v8;
	v8 =	vmovc v19  }
0x5f: {  	v22 =	vadd.s32 v0, v9;
	v12 =	vand.u32 $0x7E, v12;
	v19 =	vld [tilespmem:s20+$0xFFFFFFC0];
	[tilespmem:v18+s17+$0x0] =	vst.idx.msk $0xffff, v17  }
0x60: {  	v24 =	vadd.s32 v0, v12;
	v23 =	vld [tilespmem:s20+$0x0];
	[tilespmem:v21+s17+$0x0] =	vst.idx.msk $0xffff, v20  }
0x61: {  	v21 =	vadd.s32 v2, v5;
	[tilespmem:v16+s17+$0x0] =	vst.idx.msk $0xffff, v15;
	v20 =	vld [tilespmem:s21+$0x20]  }
0x62: {  	[tilespmem:v14+s17+$0x0] =	vst.idx.msk $0xffff, v11;
	v11 =	vld [tilespmem:s20+$0x50];
	v14 =	vadd.s32 v1, v8  }
0x63: {  	v26 =	vadd.s32 v1, v4;
	v25 =	vld [tilespmem:s20+$0xFFFFFF90];
	[tilespmem:v13+s17+$0x0] =	vst.idx.msk $0xffff, v10  }
0x64: {  	[tilespmem:v22+s17+$0x0] =	vst.idx.msk $0xffff, v19;
	v19 =	vld [tilespmem:s21+$0xFFFFFFF0];
	v22 =	vadd.s32 v3, v7;
	v7 =	vmov v9  }
.Ltmp8:
0x65: {  	v17 =	vld [tilespmem:s20+$0xFFFFFFD0];
	v18 =	vadd.s32 v1, v7;
	[tilespmem:v24+s17+$0x0] =	vst.idx.msk $0xffff, v23;
	(pc) =	sbr.rel @p0 .LBB2_8-.Ltmp8, $4  }
0x66: {  	v16 =	vadd.s32 v1, v12;
	v15 =	vld [tilespmem:s20+$0x10];
	[tilespmem:v21+s17+$0x0] =	vst.idx.msk $0xffff, v20  }
0x67: {  	[tilespmem:v14+s17+$0x0] =	vst.idx.msk $0xffff, v11;
	v11 =	vld [tilespmem:s21+$0x30];
	v14 =	vadd.s32 v3, v5;
	v5 =	vmov v12  }
0x68: {  	v12 =	vadd.s32 v2, v8;
	[tilespmem:v26+s17+$0x0] =	vst.idx.msk $0xffff, v25;
	v9 =	vld [tilespmem:s20+$0x60]  }
0x69: {  	s23 =	sadd.s32 $0x4, s23;
	s24 =	sadd.s32 $0x3, s22;
	v13 =	vadd.s32 v2, v4;
	v10 =	vld [tilespmem:s20+$0xFFFFFFA0];
	[tilespmem:v22+s17+$0x0] =	vst.idx.msk $0xffff, v19  }
0x6a: {  	_ =	sdelay $0x2  }
0x6b: {  	v19 =	vmov s24  }
0x6c: {  	s23 =	sadd.s32 $0x1, s22;
	[tilespmem:v18+s17+$0x0] =	vst.idx.msk $0xffff, v17;
	v30 =	vld [tilespmem:s21+$0xFFFFFFB0];
	v6 =	vadd.s32 v3, v6;
	s25 =	sadd.s32 $0x100, s20;
	v21 =	vmov s22;
	v31 =	vand.u32 $0x7F, v19  }
0x6d: {  	s26 =	sadd.s32 $0x2, s22;
	v32 =	vmov s23;
	[tilespmem:v16+s17+$0x0] =	vst.idx.msk $0xffff, v15;
	v33 =	vld [tilespmem:s25+$0x40];
	v21 =	vand.u32 $0x7C, v21;
	v34 =	vadd.s32 v0, v31  }
0x6e: {  	v20 =	vmov s26;
	v22 =	vld [tilespmem:s25+$0xFFFFFF80];
	v19 =	vand.u32 $0x7D, v32;
	[tilespmem:v14+s17+$0x0] =	vst.idx.msk $0xffff, v11;
	v39 =	vadd.s32 v0, v21  }
0x6f: {  	v35 =	vld [tilespmem:s25+$0xFFFFFFC0];
	v20 =	vand.u32 $0x7E, v20;
	v36 =	vadd.s32 v0, v19;
	[tilespmem:v12+s17+$0x0] =	vst.idx.msk $0xffff, v9  }
0x70: {  	v37 =	vld [tilespmem:s25+$0x0];
	v38 =	vadd.s32 v0, v20;
	[tilespmem:v13+s17+$0x0] =	vst.idx.msk $0xffff, v10  }
0x71: {  	v41 =	vadd.s32 v2, v7;
	v40 =	vld [tilespmem:s20+$0xFFFFFFE0];
	[tilespmem:v6+s17+$0x0] =	vst.idx.msk $0xffff, v30  }
0x72: {  	v49 =	vadd.s32 v2, v5;
	v48 =	vld [tilespmem:s20+$0x20];
	[tilespmem:v34+s17+$0x0] =	vst.idx.msk $0xffff, v33  }
0x73: {  	v43 =	vadd.s32 v1, v31;
	[tilespmem:v39+s17+$0x0] =	vst.idx.msk $0xffff, v22;
	v15 =	vld [tilespmem:s25+$0x50]  }
0x74: {  	v47 =	vadd.s32 v1, v21;
	[tilespmem:v36+s17+$0x0] =	vst.idx.msk $0xffff, v35;
	v46 =	vld [tilespmem:s25+$0xFFFFFF90]  }
0x75: {  	v44 =	vadd.s32 v1, v19;
	[tilespmem:v38+s17+$0x0] =	vst.idx.msk $0xffff, v37;
	v11 =	vld [tilespmem:s25+$0xFFFFFFD0]  }
0x76: {  	v45 =	vadd.s32 v1, v20;
	[tilespmem:v41+s17+$0x0] =	vst.idx.msk $0xffff, v40;
	v9 =	vld [tilespmem:s25+$0x10]  }
0x77: {  	v8 =	vadd.s32 v3, v8;
	v42 =	vld [tilespmem:s20+$0x70];
	[tilespmem:v49+s17+$0x0] =	vst.idx.msk $0xffff, v48  }
0x78: {  	v5 =	vadd.s32 v3, v5;
	v13 =	vld [tilespmem:s20+$0x30];
	[tilespmem:v43+s17+$0x0] =	vst.idx.msk $0xffff, v15  }
0x79: {  	v52 =	vadd.s32 v2, v31;
	[tilespmem:v47+s17+$0x0] =	vst.idx.msk $0xffff, v46;
	v15 =	vld [tilespmem:s25+$0x60]  }
0x7a: {  	v57 =	vadd.s32 v2, v21;
	[tilespmem:v44+s17+$0x0] =	vst.idx.msk $0xffff, v11;
	v56 =	vld [tilespmem:s25+$0xFFFFFFA0]  }
0x7b: {  	v53 =	vadd.s32 v2, v19;
	[tilespmem:v45+s17+$0x0] =	vst.idx.msk $0xffff, v9;
	v11 =	vld [tilespmem:s25+$0xFFFFFFE0]  }
0x7c: {  	v55 =	vadd.s32 v2, v20;
	[tilespmem:v8+s17+$0x0] =	vst.idx.msk $0xffff, v42;
	v54 =	vld [tilespmem:s25+$0x20]  }
0x7d: {  	v4 =	vadd.s32 v3, v4;
	v58 =	vld [tilespmem:s20+$0xFFFFFFB0];
	[tilespmem:v5+s17+$0x0] =	vst.idx.msk $0xffff, v13  }
0x7e: {  	v51 =	vadd.s32 v3, v7;
	v50 =	vld [tilespmem:s20+$0xFFFFFFF0];
	[tilespmem:v52+s17+$0x0] =	vst.idx.msk $0xffff, v15  }
0x7f: {  	v60 =	vadd.s32 v3, v31;
	[tilespmem:v57+s17+$0x0] =	vst.idx.msk $0xffff, v56;
	v59 =	vld [tilespmem:s25+$0x70]  }
0x80: {  	v63 =	vadd.s32 v3, v21;
	[tilespmem:v53+s17+$0x0] =	vst.idx.msk $0xffff, v11;
	v5 =	vld [tilespmem:s25+$0xFFFFFFB0]  }
0x81: {  	v61 =	vadd.s32 v3, v19;
	[tilespmem:v55+s17+$0x0] =	vst.idx.msk $0xffff, v54;
	v11 =	vld [tilespmem:s25+$0xFFFFFFF0]  }
0x82: {  	v62 =	vadd.s32 v3, v20;
	[tilespmem:v4+s17+$0x0] =	vst.idx.msk $0xffff, v58;
	v6 =	vld [tilespmem:s25+$0x30]  }
0x83: {  	[tilespmem:v51+s17+$0x0] =	vst.idx.msk $0xffff, v50  }
0x84: {  	s19 =	sshll.u32 s19, $0x12;
	[tilespmem:v60+s17+$0x0] =	vst.idx.msk $0xffff, v59  }
0x85: {  	s19 =	sor.u32 s6, s19;
	[tilespmem:v63+s17+$0x0] =	vst.idx.msk $0xffff, v5  }
0x86: {  	s19 =	sshrl.u32 s19, $0x3;
	[tilespmem:v61+s17+$0x0] =	vst.idx.msk $0xffff, v11  }
0x87: {  	s18 =	sadd.s32 $0x9, s18;
	s22 =	sadd.s32 $0x0, s17;
	s19 =	sadd.s32 s2, s19;
	[tilespmem:v62+s17+$0x0] =	vst.idx.msk $0xffff, v6  }
0x88: {  	[hbm4b:s19+s3] =	stream.linear.scatter [tilespmem:s22], [sflag:s18], $0x80, $0x38;
	[tilespmem:$0x1EC00] =	vst v63  }
0x89: {  	s28 =	sadd.s32 $0x88, s22;
	s29 =	sadd.s32 $0x10, s19  }
0x8a: {  	[hbm4b:s29+s3] =	stream.linear.scatter [tilespmem:s28], [sflag:s18], $0x80, $0x38;
	[tilespmem:$0x1EC00] =	vst v63  }
0x8b: {  	s21 =	simm.s32 $0x2200;
	s30 =	sadd.s32 $0x110, s22;
	s31 =	sadd.s32 $0x20, s19  }
0x8c: {  	[hbm4b:s31+s3] =	stream.linear.scatter [tilespmem:s30], [sflag:s18], $0x80, $0x38;
	[tilespmem:$0x1EC00] =	vst v63  }
0x8d: {  	s23 =	sadd.s32 $0x198, s22;
	s24 =	sadd.s32 $0x30, s19;
	s26 =	sadd.s32 $0x40, s19  }
0x8e: {  	[hbm4b:s24+s3] =	stream.linear.scatter [tilespmem:s23], [sflag:s18], $0x80, $0x38;
	[tilespmem:$0x1EC00] =	vst v63  }
0x8f: {  	s20 =	simm.s32 $0x440;
	s25 =	sadd.s32 $0x220, s22;
	s28 =	sadd.s32 $0x2A8, s22  }
0x90: {  	[hbm4b:s26+s3] =	stream.linear.scatter [tilespmem:s25], [sflag:s18], $0x80, $0x38;
	[tilespmem:$0x1EC00] =	vst v63  }
0x91: {  	s29 =	sadd.s32 $0x50, s19;
	s30 =	sadd.s32 $0x330, s22;
	s31 =	sadd.s32 $0x60, s19  }
0x92: {  	[hbm4b:s29+s3] =	stream.linear.scatter [tilespmem:s28], [sflag:s18], $0x80, $0x38;
	[tilespmem:$0x1EC00] =	vst v63  }
0x93: {  	s22 =	sadd.s32 $0x3B8, s22;
	s23 =	sadd.s32 $0x70, s19;
	s19 =	sadd.s32 $0x1000, s19  }
0x94: {  	[hbm4b:s31+s3] =	stream.linear.scatter [tilespmem:s30], [sflag:s18], $0x80, $0x38;
	[tilespmem:$0x1EC00] =	vst v63  }
.LBB2_10:
0x95: {  	[hbm4b:s23+s3] =	stream.linear.scatter [tilespmem:s22], [sflag:s18], $0x80, $0x38;
	[tilespmem:$0x1EC00] =	vst v63  }
0x96: {  	s22 =	smov.u32 s21  }
0x97: {  	s24 =	sadd.s32 $0x1100, s21;
	s23 =	sadd.s32 s20, s17;
	s20 =	sshra.s32 s22, $0x2  }
0x98: {  	[hbm4b:s19+s3] =	stream.linear.scatter [tilespmem:s23], [sflag:s18], $0x80, $0x38;
	[tilespmem:$0x1EC00] =	vst v63  }
0x99: {  	p0 =	sne.s32 s21, $0x7700;
	s21 =	sadd.s32 $0x88, s23;
	s22 =	sadd.s32 $0x10, s19  }
0x9a: {  	[hbm4b:s22+s3] =	stream.linear.scatter [tilespmem:s21], [sflag:s18], $0x80, $0x38;
	[tilespmem:$0x1EC00] =	vst v63  }
0x9b: {  	s21 =	sadd.s32 $0x110, s23;
	s22 =	sadd.s32 $0x20, s19  }
0x9c: {  	[hbm4b:s22+s3] =	stream.linear.scatter [tilespmem:s21], [sflag:s18], $0x80, $0x38;
	[tilespmem:$0x1EC00] =	vst v63  }
0x9d: {  	s21 =	sadd.s32 $0x198, s23;
	s22 =	sadd.s32 $0x30, s19  }
0x9e: {  	[hbm4b:s22+s3] =	stream.linear.scatter [tilespmem:s21], [sflag:s18], $0x80, $0x38;
	[tilespmem:$0x1EC00] =	vst v63  }
0x9f: {  	s21 =	sadd.s32 $0x220, s23;
	s22 =	sadd.s32 $0x40, s19  }
0xa0: {  	[hbm4b:s22+s3] =	stream.linear.scatter [tilespmem:s21], [sflag:s18], $0x80, $0x38;
	[tilespmem:$0x1EC00] =	vst v63  }
0xa1: {  	s21 =	sadd.s32 $0x2A8, s23;
	s22 =	sadd.s32 $0x50, s19  }
0xa2: {  	[hbm4b:s22+s3] =	stream.linear.scatter [tilespmem:s21], [sflag:s18], $0x80, $0x38;
	[tilespmem:$0x1EC00] =	vst v63  }
.Ltmp9:
0xa3: {  	_ = 	snop;
	(pc) =	sbr.rel @p0 .LBB2_10-.Ltmp9, $4  }
0xa4: {  	s21 =	sadd.s32 $0x330, s23;
	s22 =	sadd.s32 $0x60, s19  }
0xa5: {  	[hbm4b:s22+s3] =	stream.linear.scatter [tilespmem:s21], [sflag:s18], $0x80, $0x38;
	[tilespmem:$0x1EC00] =	vst v63  }
0xa6: {  	s22 =	sadd.s32 $0x3B8, s23  }
0xa7: {  	s23 =	sadd.s32 $0x70, s19;
	s19 =	sadd.s32 $0x1000, s19;
	s21 =	smov.u32 s24  }
0xa8: {  	[hbm4b:s23+s3] =	stream.linear.scatter [tilespmem:s22], [sflag:s18], $0x80, $0x38;
	[tilespmem:$0x1EC00] =	vst v63  }
0xa9: {  	s17 =	sadd.s32 s20, s17  }
0xaa: {  	[hbm4b:s19+s3] =	stream.linear.scatter [tilespmem:s17], [sflag:s18], $0x80, $0x38;
	[tilespmem:$0x1EC00] =	vst v63  }
0xab: {  	s21 =	sadd.s32 $0x10, s19;
	s20 =	sadd.s32 $0x88, s17  }
0xac: {  	[hbm4b:s21+s3] =	stream.linear.scatter [tilespmem:s20], [sflag:s18], $0x80, $0x38;
	[tilespmem:$0x1EC00] =	vst v63  }
0xad: {  	s31 =	sadd.s32 $0x20, s19;
	s30 =	sadd.s32 $0x110, s17  }
0xae: {  	[hbm4b:s31+s3] =	stream.linear.scatter [tilespmem:s30], [sflag:s18], $0x80, $0x38;
	[tilespmem:$0x1EC00] =	vst v63  }
0xaf: {  	s23 =	sadd.s32 $0x30, s19;
	s22 =	sadd.s32 $0x198, s17  }
0xb0: {  	[hbm4b:s23+s3] =	stream.linear.scatter [tilespmem:s22], [sflag:s18], $0x80, $0x38;
	[tilespmem:$0x1EC00] =	vst v63  }
0xb1: {  	s25 =	sadd.s32 $0x40, s19;
	s24 =	sadd.s32 $0x220, s17  }
0xb2: {  	[hbm4b:s25+s3] =	stream.linear.scatter [tilespmem:s24], [sflag:s18], $0x80, $0x38;
	[tilespmem:$0x1EC00] =	vst v63  }
0xb3: {  	s28 =	sadd.s32 $0x50, s19;
	s26 =	sadd.s32 $0x2A8, s17  }
0xb4: {  	[hbm4b:s28+s3] =	stream.linear.scatter [tilespmem:s26], [sflag:s18], $0x80, $0x38;
	[tilespmem:$0x1EC00] =	vst v63  }
.Ltmp10:
0xb5: {  	_ = 	snop;
	(pc) =	sbr.rel .LBB2_12-.Ltmp10, $4  }
0xb6: {  	s29 =	sadd.s32 $0x330, s17;
	s30 =	sadd.s32 $0x60, s19  }
0xb7: {  	[hbm4b:s30+s3] =	stream.linear.scatter [tilespmem:s29], [sflag:s18], $0x80, $0x38;
	[tilespmem:$0x1EC00] =	vst v63  }
0xb8: {  	s17 =	sadd.s32 $0x3B8, s17;
	s31 =	sadd.s32 $0x70, s19  }
0xb9: {  	[hbm4b:s31+s3] =	stream.linear.scatter [tilespmem:s17], [sflag:s18], $0x80, $0x38;
	[tilespmem:$0x1EC00] =	vst v63  }
.LBB2_14:
0xba: {  	_ =	sfence.sel $0x180000  }
0xbb: {  	[bflag:$0x0] =	sbarrier.arrive $0xFFFF  }
0xbc: {  	p0 =	sne.s32 s1, $0x0;
	_ =	strace $0x90000047  }
0xbd: {  	s0 =	sadd.s32 @!p0 $0x100000, s0;
	[bflag:$0x2] =	sbarrier.arrive $0xFFFF  }
0xbe: {  	[sflag:s0] =	ssyncadd.tile.s32 @!p0 $0x1;
	_ =	shalt  }
.Lfunc_end2:
_tile_overlayer_lowered:
.L_overlay_start_2:
0xbf: {  	(tag) =	ssettag $0x2  }
0xc0: {  	s0 =	rddreg [dreg:$0x0];
	s2 =	stileid.u32  }
0xc1: {  	s1 =	rddreg [dreg:$0x1];
	p0 =	sne.s32 s2, $0x0  }
0xc2: {  	s3 =	rddreg [dreg:$0x2];
	[bflag:$0x3] =	sbarrier.arrive $0xFFFF;
	s2 =	simm.s32 @!p0 $0x1C0D  }
0xc3: {  	[timem:s3], [sflag:s2] =	dma.local @!p0 [hbm:s0], s1  }
0xc4: {  	s0 =	simm.s32 @!p0 $0xD  }
0xc5: {  	_ =	swait.ge @!p0 [sflag:s0], s1  }
0xc6: {  	s1 =	ssub.s32 @!p0 $0x0, s1;
	[sflag:s0] =	ssyncset.done @!p0 $0x0  }
0xc7: {  	[sflag:s0] =	ssyncadd.s32 @!p0 s1  }
0xc8: {  	[bflag:$0x3] =	sbarrier.arrive $0xFFFF  }
0xc9: {  	_ =	shalt  }

</sc_bundles>
